<compile_context>
chip_gen: v7x
topology: tpu7x:2x2x1
jax: 0.10.2.dev20260603
libtpu: 0.0.44.dev20260713+nightly
codegen_flags: <defaults>
</compile_context>

<pallas_src>
import jax
import jax.numpy as jnp
from jax import lax
from jax.experimental import pallas as pl
from jax.experimental.pallas import tpu as pltpu
from jax.experimental.pallas import tpu_sc as plsc

E = 8
D = 1024
DA = D + 128
N = 4096
TB = 1024
NB = N // TB
TM = 256
G = 24
NP = G * TM
NW = 32
SC_PER_W = N // NW
SC_CHUNK = 32
SC_NCH = SC_PER_W // SC_CHUNK


def _eye(n):
    return (lax.broadcasted_iota(jnp.int32, (n, n), 0)
            == lax.broadcasted_iota(jnp.int32, (n, n), 1)).astype(jnp.float32)


def _transpose_col(row, ident):
    return lax.dot_general(ident, row, (((1,), (1,)), ((), ())),
                           preferred_element_type=jnp.float32,
                           precision=lax.Precision.HIGHEST)


def _row_mod2(row):
    return row - 2.0 * jnp.floor(row * 0.5)


def _router_body(x_ref, rw_ref, rb_ref, dest_ref, plan_ref,
                 xsc_ref, prefix_ref, cnt_ref, off_ref, lt_ref, ieye_ref):
    i = pl.program_id(0)
    i8 = _eye(E)

    @pl.when(i == 0)
    def _const():
        lt_ref[...] = (lax.broadcasted_iota(jnp.int32, (TB, TB), 0)
                       <= lax.broadcasted_iota(jnp.int32, (TB, TB), 1)
                       ).astype(jnp.float32)
        ieye_ref[...] = _eye(TB)

    @pl.when(i < NB)
    def _pass1():
        xb = x_ref[...]
        logitsT = lax.dot_general(rw_ref[...], xb, (((1,), (1,)), ((), ())),
                                  preferred_element_type=jnp.float32)
        logitsT = logitsT + _transpose_col(rb_ref[...], i8)
        m = jnp.max(logitsT, axis=0, keepdims=True)
        sumexp = jnp.sum(jnp.exp(logitsT - m), axis=0, keepdims=True)
        scale_row = 1.0 / sumexp
        iotaT = lax.broadcasted_iota(jnp.int32, (E, TB), 0).astype(jnp.float32)
        expert_row = jnp.min(jnp.where(logitsT >= m, iotaT, jnp.float32(E)),
                             axis=0, keepdims=True)
        onehotT = (iotaT == expert_row).astype(jnp.float32)

        scale_col = _transpose_col(scale_row, ieye_ref[...])
        lane0 = (lax.broadcasted_iota(jnp.int32, (1, DA - D), 1) == 0
                 ).astype(jnp.float32)
        xsc_ref[...] = jnp.concatenate(
            [xb * scale_col, scale_col * lane0], axis=1)

        @pl.when(i == 0)
        def _():
            cnt_ref[...] = jnp.zeros((1, E), jnp.float32)

        counts_col = jnp.sum(onehotT, axis=1, keepdims=True)
        counts_row = lax.dot_general(counts_col, i8,
                                     (((0,), (0,)), ((), ())),
                                     preferred_element_type=jnp.float32)
        running = cnt_ref[...]
        prefix_ref[pl.ds(i, 1), :] = running
        totals = running + counts_row
        cnt_ref[...] = totals
        dest_ref[...] = jnp.zeros((TB,), jnp.int32)

        @pl.when(i == NB - 1)
        def _():
            padded = jnp.floor((totals + jnp.float32(TM - 1))
                               / jnp.float32(TM)) * jnp.float32(TM)
            ustrict = (lax.broadcasted_iota(jnp.int32, (E, E), 0)
                       < lax.broadcasted_iota(jnp.int32, (E, E), 1)
                       ).astype(jnp.float32)
            off_ref[...] = lax.dot_general(padded, ustrict,
                                           (((1,), (0,)), ((), ())),
                                           preferred_element_type=jnp.float32)

    @pl.when(i >= NB)
    def _pass2():
        j = i - NB
        xb = x_ref[...]
        logitsT = lax.dot_general(rw_ref[...], xb, (((1,), (1,)), ((), ())),
                                  preferred_element_type=jnp.float32)
        logitsT = logitsT + _transpose_col(rb_ref[...], i8)
        m = jnp.max(logitsT, axis=0, keepdims=True)
        iotaT = lax.broadcasted_iota(jnp.int32, (E, TB), 0).astype(jnp.float32)
        expert_row = jnp.min(jnp.where(logitsT >= m, iotaT, jnp.float32(E)),
                             axis=0, keepdims=True)
        onehotT = (iotaT == expert_row).astype(jnp.float32)

        cumT = lax.dot_general(onehotT, lt_ref[...], (((1,), (0,)), ((), ())),
                               preferred_element_type=jnp.float32)
        pr_col = _transpose_col(prefix_ref[pl.ds(j, 1), :], i8)
        off_col = _transpose_col(off_ref[...], i8)
        valT = cumT - 1.0 + pr_col + off_col
        dest_row = jnp.sum(onehotT * valT, axis=0, keepdims=True)
        dest_ref[...] = dest_row.reshape(TB).astype(jnp.int32)

    @pl.when(i == 2 * NB - 1)
    def _plan():
        i128 = _eye(128)
        lane = lax.broadcasted_iota(jnp.int32, (1, 128), 1).astype(jnp.float32)
        off_col = _transpose_col(off_ref[...], i8)
        ge = (lane * jnp.float32(TM) >= off_col).astype(jnp.float32)
        gid = jnp.sum(ge, axis=0, keepdims=True) - 1.0
        shift = (lax.broadcasted_iota(jnp.int32, (128, 128), 0)
                 == lax.broadcasted_iota(jnp.int32, (128, 128), 1) - 1
                 ).astype(jnp.float32)
        prev = lax.dot_general(gid, shift, (((1,), (0,)), ((), ())),
                               preferred_element_type=jnp.float32)
        chg = jnp.where(lane == 0.0, 1.0,
                        (gid != prev).astype(jnp.float32))
        lt128 = (lax.broadcasted_iota(jnp.int32, (128, 128), 0)
                 <= lax.broadcasted_iota(jnp.int32, (128, 128), 1)
                 ).astype(jnp.float32)
        cum = lax.dot_general(chg, lt128, (((1,), (0,)), ((), ())),
                              preferred_element_type=jnp.float32)
        slot = _row_mod2(cum - 1.0)
        maxc = jnp.max(cum, axis=1, keepdims=True)
        st = chg * (cum < maxc).astype(jnp.float32)
        cum_col = _transpose_col(cum, i128)
        nxt = (cum_col == cum + 1.0).astype(jnp.float32)
        nexte = lax.dot_general(chg * gid, nxt, (((1,), (0,)), ((), ())),
                                preferred_element_type=jnp.float32)
        nextstart = lax.dot_general(chg * lane, nxt, (((1,), (0,)), ((), ())),
                                    preferred_element_type=jnp.float32)
        sslot = _row_mod2(slot + 1.0)
        ptot = jnp.floor((cnt_ref[...] + jnp.float32(TM - 1))
                         / jnp.float32(TM)) * jnp.float32(TM)
        nlive = jnp.sum(ptot, axis=1, keepdims=True) * (1.0 / TM)
        st = st * (nextstart < nlive).astype(jnp.float32)
        nlive_row = nlive * jnp.ones((1, 128), jnp.float32)
        zero = jnp.zeros((1, 128), jnp.float32)
        plan_ref[...] = jnp.concatenate(
            [gid, chg, slot, st, nexte, sslot, nlive_row, zero],
            axis=0).astype(jnp.int32)


def _router(xf, router_W, router_b):
    return pl.pallas_call(
        _router_body,
        grid=(2 * NB,),
        in_specs=[
            pl.BlockSpec((TB, D), lambda i: (lax.rem(i, NB), 0)),
            pl.BlockSpec((E, D), lambda i: (0, 0)),
            pl.BlockSpec((1, E), lambda i: (0, 0)),
        ],
        out_specs=[
            pl.BlockSpec((TB,), lambda i: (jnp.where(i < NB, NB, i - NB),)),
            pl.BlockSpec((8, 128), lambda i: (0, 0)),
            pl.BlockSpec((TB, DA),
                         lambda i: (jnp.where(i < NB, i, NB), 0)),
        ],
        out_shape=[
            jax.ShapeDtypeStruct((N + TB,), jnp.int32),
            jax.ShapeDtypeStruct((8, 128), jnp.int32),
            jax.ShapeDtypeStruct((N + TB, DA), jnp.float32),
        ],
        scratch_shapes=[
            pltpu.VMEM((E, E), jnp.float32),
            pltpu.VMEM((1, E), jnp.float32),
            pltpu.VMEM((1, E), jnp.float32),
            pltpu.VMEM((TB, TB), jnp.float32),
            pltpu.VMEM((TB, TB), jnp.float32),
        ],
    )(xf, router_W, router_b.reshape(1, E))


def _stage_body(xa_hbm, dest_hbm, xs_hbm, dest_v, rows_v, rsem, wsem):
    wid = lax.axis_index("s") * 2 + lax.axis_index("c")
    base = wid * SC_PER_W
    for c in range(SC_NCH):
        pltpu.sync_copy(
            dest_hbm.at[pl.ds(base + c * SC_CHUNK, SC_CHUNK)], dest_v.at[c])

    reads = [None] * SC_NCH
    writes = [None] * SC_NCH

    def start_read(c):
        reads[c] = pltpu.async_copy(
            xa_hbm.at[pl.ds(base + c * SC_CHUNK, SC_CHUNK)],
            rows_v.at[c % 2], rsem.at[c % 2])

    start_read(0)
    for c in range(SC_NCH):
        if c >= 1:
            writes[c - 1].wait()
        if c + 1 < SC_NCH:
            start_read(c + 1)
        reads[c].wait()
        writes[c] = pltpu.async_copy(
            rows_v.at[c % 2], xs_hbm.at[dest_v.at[c]], wsem.at[c % 2])
    writes[SC_NCH - 1].wait()


def _stage(xa, dest):
    mesh = plsc.VectorSubcoreMesh(core_axis_name="c", subcore_axis_name="s")
    return pl.kernel(
        _stage_body,
        out_type=jax.ShapeDtypeStruct((NP, DA), jnp.float32),
        mesh=mesh,
        scratch_types=[
            pltpu.VMEM((SC_NCH, SC_CHUNK), jnp.int32),
            pltpu.VMEM((2, SC_CHUNK, DA), jnp.float32),
            pltpu.SemaphoreType.DMA((2,)),
            pltpu.SemaphoreType.DMA((2,)),
        ],
    )(xa, dest)


def _matmul_body(plan_ref, xs_ref, w_hbm, b_ref, out_ref, wbuf, wsem):
    g = pl.program_id(0)
    e = plan_ref[0, g]
    chg = plan_ref[1, g]
    sl = plan_ref[2, g]
    st = plan_ref[3, g]
    se = plan_ref[4, g]
    ssl = plan_ref[5, g]
    nl = plan_ref[6, 0]
    live = g < nl

    @pl.when(g == 0)
    def _():
        pltpu.make_async_copy(w_hbm.at[e], wbuf.at[0], wsem.at[0]).start()

    @pl.when(jnp.logical_and(st == 1, live))
    def _():
        pltpu.make_async_copy(w_hbm.at[se], wbuf.at[ssl], wsem.at[ssl]).start()

    @pl.when(jnp.logical_and(chg == 1, live))
    def _():
        pltpu.make_async_copy(w_hbm.at[e], wbuf.at[sl], wsem.at[sl]).wait()

    @pl.when(live)
    def _():
        sx = xs_ref[:, pl.ds(0, D)]
        acc = lax.dot_general(sx, wbuf[sl], (((1,), (1,)), ((), ())),
                              preferred_element_type=jnp.float32)
        s_col = xs_ref[:, pl.ds(D, 1)]
        b_row = b_ref[pl.ds(e, 1), :]
        out_ref[...] = acc + s_col * b_row


def _grouped_matmul(plan, xs, expert_W, expert_b):
    grid_spec = pltpu.PrefetchScalarGridSpec(
        num_scalar_prefetch=1,
        grid=(G,),
        in_specs=[
            pl.BlockSpec(
                (TM, DA),
                lambda g, plan: (jnp.minimum(g, plan[6, 0] - 1), 0)),
            pl.BlockSpec(memory_space=pl.ANY),
            pl.BlockSpec((E, D), lambda g, plan: (0, 0)),
        ],
        out_specs=pl.BlockSpec(
            (TM, D), lambda g, plan: (jnp.minimum(g, plan[6, 0] - 1), 0)),
        scratch_shapes=[
            pltpu.VMEM((2, D, D), jnp.float32),
            pltpu.SemaphoreType.DMA((2,)),
        ],
    )
    return pl.pallas_call(
        _matmul_body,
        grid_spec=grid_spec,
        out_shape=jax.ShapeDtypeStruct((NP, D), jnp.float32),
    )(plan, xs, expert_W, expert_b)


def _unstage_body(y_hbm, dest_hbm, out_hbm, dest_v, rows_v, rsem, wsem):
    wid = lax.axis_index("s") * 2 + lax.axis_index("c")
    base = wid * SC_PER_W
    pltpu.sync_copy(dest_hbm.at[pl.ds(base, SC_PER_W)], dest_v)

    reads = [None] * SC_NCH
    writes = [None] * SC_NCH

    def start_gather(c):
        idx = dest_v.at[pl.ds(c * SC_CHUNK, SC_CHUNK)]
        reads[c] = pltpu.async_copy(y_hbm.at[idx], rows_v.at[c % 2],
                                    rsem.at[c % 2])

    start_gather(0)
    for c in range(SC_NCH):
        if c >= 1:
            writes[c - 1].wait()
        if c + 1 < SC_NCH:
            start_gather(c + 1)
        reads[c].wait()
        writes[c] = pltpu.async_copy(
            rows_v.at[c % 2],
            out_hbm.at[pl.ds(base + c * SC_CHUNK, SC_CHUNK)],
            wsem.at[c % 2])
    writes[SC_NCH - 1].wait()


def _unstage(y, dest):
    mesh = plsc.VectorSubcoreMesh(core_axis_name="c", subcore_axis_name="s")
    return pl.kernel(
        _unstage_body,
        out_type=jax.ShapeDtypeStruct((N, D), jnp.float32),
        mesh=mesh,
        scratch_types=[
            pltpu.VMEM((SC_PER_W,), jnp.int32),
            pltpu.VMEM((2, SC_CHUNK, D), jnp.float32),
            pltpu.SemaphoreType.DMA((2,)),
            pltpu.SemaphoreType.DMA((2,)),
        ],
    )(y, dest)


def kernel(x, expert_W, expert_b, router_W, router_b):
    B, C, d = x.shape
    xf = x.reshape(B * C, d)
    dest, plan, xa = _router(xf, router_W, router_b)
    xs = _stage(xa, dest)
    y = _grouped_matmul(plan, xs, expert_W, expert_b)
    out = _unstage(y, dest)
    return out.reshape(B, C, d), 0

# --- scband reference (transcript-rebuilt; emitter-appended) ---
"""Pipeline reference for scband-mo-elayer-678604833550 (READ-ONLY COPY).

The authoritative reference and input builder live on the scoring server;
editing this copy changes nothing except your own understanding.
"""

import jax, jax.numpy as jnp
import numpy as np

NUM_EXPERTS = 8
D_MODEL = 1024

def setup_inputs(seed: int = 0) -> dict:
    key = jax.random.key(seed)
    ks = jax.random.split(key, 5)
    x = jax.random.normal(ks[0], (2, 2048, D_MODEL), dtype=jnp.float32)
    s = 1.0 / np.sqrt(D_MODEL)
    # nn.Linear weights: [out_features, in_features], init U(-1/sqrt(fan_in), 1/sqrt(fan_in))
    expert_W = jax.random.uniform(ks[1], (NUM_EXPERTS, D_MODEL, D_MODEL), jnp.float32, -s, s)
    expert_b = jax.random.uniform(ks[2], (NUM_EXPERTS, D_MODEL), jnp.float32, -s, s)
    router_W = jax.random.uniform(ks[3], (NUM_EXPERTS, D_MODEL), jnp.float32, -s, s)
    router_b = jax.random.uniform(ks[4], (NUM_EXPERTS,), jnp.float32, -s, s)
    return {"x": x, "expert_W": expert_W, "expert_b": expert_b, "router_W": router_W, "router_b": router_b}

def reference(x, expert_W, expert_b, router_W, router_b):
    # x: (B, C, D)
    B, C, D = x.shape
    E = expert_W.shape[0]
    xf = x.reshape(B * C, D)
    logits = xf @ router_W.T + router_b
    probs = jax.nn.softmax(logits, axis=1)
    layer = jnp.argmax(probs, axis=1)            # top-1 expert per token
    scale = jnp.max(probs, axis=1)                # gating weight = max prob
    # Per-expert linear: y_e = xf @ W_e.T + b_e  -> [E, N, D]
    eo = jnp.einsum('nd,eod->eno', xf, expert_W) + expert_b[:, None, :]
    # Select each token's routed expert output (equivalent to output[layer==i] = ...)
    onehot = jax.nn.one_hot(layer, E, dtype=xf.dtype)  # [N, E]
    out = jnp.einsum('ne,eno->no', onehot, eo) * scale[:, None]
    output = out.reshape(B, C, D)
    loss = 0
    return (output, loss)

if __name__ == "__main__":
    import jax
    _d = setup_inputs()
    print(jax.jit(kernel)(*tuple(_d.values())))

</pallas_src>

<mosaic_0001>
#map = affine_map<(d0, d1) -> (0, 0)>
#map1 = affine_map<(d0, d1) -> (0)>
module attributes {stable_mosaic.version = 14 : i64} {
  func.func @_stage_body(%arg0: i32, %arg1: i32, %arg2: memref<5120x1152xf32, #tpu.memory_space<hbm>>, %arg3: memref<5120xi32, #tpu.memory_space<hbm>>, %arg4: memref<6144x1152xf32, #tpu.memory_space<hbm>>, %arg5: memref<4x32xi32, #tpu.memory_space<vmem>>, %arg6: memref<2x32x1152xf32, #tpu.memory_space<vmem>>, %arg7: memref<2x!tpu.dma_semaphore, #tpu.memory_space<semaphore_mem>>, %arg8: memref<2x!tpu.dma_semaphore, #tpu.memory_space<semaphore_mem>>) attributes {dimension_semantics = [#tpu.dimension_semantics<core_parallel>, #tpu.dimension_semantics<subcore_parallel>], iteration_bounds = array<i64: 2, 16>, scalar_prefetch = 0 : i64, scratch_operands = 4 : i64, tpu.core_type = #tpu.core_type<sc_vector_subcore>, window_params = [{transform_indices = #map}, {transform_indices = #map1}, {transform_indices = #map}]} {
    %mul3A = arith.constant 2 : i32
    %mul3A_0 = arith.muli %arg1, %mul3A : i32
    %add3A = arith.addi %mul3A_0, %arg0 : i32
    %mul3A_1 = arith.constant 128 : i32
    %mul3A_2 = arith.muli %add3A, %mul3A_1 : i32
    %add3A_3 = arith.constant 0 : i32
    %add3A_4 = arith.addi %mul3A_2, %add3A_3 : i32
    %run_scoped3A = arith.constant 0 : i32
    "tpu.region"() ({
      %run_scoped3A_268 = tpu.sem_alloc : memref<!tpu.dma_semaphore, #tpu.memory_space<semaphore_mem>>
      %dma_start3A_269 = arith.constant 0 : i32
      %dma_start3A_270 = tpu.memref_slice %arg5[%run_scoped3A, %dma_start3A_269] : memref<4x32xi32, #tpu.memory_space<vmem>> -> memref<1x32xi32, #tpu.memory_space<vmem>>
      %dma_start3A_271 = tpu.memref_squeeze %dma_start3A_270 : memref<1x32xi32, #tpu.memory_space<vmem>> -> memref<32xi32, #tpu.memory_space<vmem>>
      %dma_start3A_272 = tpu.memref_slice %arg3[%add3A_4] : memref<5120xi32, #tpu.memory_space<hbm>> -> memref<32xi32, #tpu.memory_space<hbm>>
      %dma_start3A_273 = arith.constant 0 : i32
      %dma_start3A_274 = tpu.memref_slice %arg5[%run_scoped3A, %dma_start3A_273] : memref<4x32xi32, #tpu.memory_space<vmem>> -> memref<1x32xi32, #tpu.memory_space<vmem>>
      %dma_start3A_275 = tpu.memref_squeeze %dma_start3A_274 : memref<1x32xi32, #tpu.memory_space<vmem>> -> memref<32xi32, #tpu.memory_space<vmem>>
      %dma_start3A_276 = tpu.memref_slice %arg3[%add3A_4] : memref<5120xi32, #tpu.memory_space<hbm>> -> memref<32xi32, #tpu.memory_space<hbm>>
      tpu.enqueue_dma source(%dma_start3A_276 : memref<32xi32, #tpu.memory_space<hbm>>) target(%dma_start3A_275 : memref<32xi32, #tpu.memory_space<vmem>>) target_semaphore(%run_scoped3A_268 : memref<!tpu.dma_semaphore, #tpu.memory_space<semaphore_mem>>)
      %dma_wait3A_277 = arith.constant 0 : i32
      %dma_wait3A_278 = tpu.memref_slice %arg5[%run_scoped3A, %dma_wait3A_277] : memref<4x32xi32, #tpu.memory_space<vmem>> -> memref<1x32xi32, #tpu.memory_space<vmem>>
      %dma_wait3A_279 = tpu.memref_squeeze %dma_wait3A_278 : memref<1x32xi32, #tpu.memory_space<vmem>> -> memref<32xi32, #tpu.memory_space<vmem>>
      %dma_wait3A_280 = tpu.memref_slice %arg3[%add3A_4] : memref<5120xi32, #tpu.memory_space<hbm>> -> memref<32xi32, #tpu.memory_space<hbm>>
      %dma_wait3A_281 = arith.constant 0 : i32
      %dma_wait3A_282 = tpu.memref_slice %arg5[%run_scoped3A, %dma_wait3A_281] : memref<4x32xi32, #tpu.memory_space<vmem>> -> memref<1x32xi32, #tpu.memory_space<vmem>>
      %dma_wait3A_283 = tpu.memref_squeeze %dma_wait3A_282 : memref<1x32xi32, #tpu.memory_space<vmem>> -> memref<32xi32, #tpu.memory_space<vmem>>
      %dma_wait3A_284 = tpu.memref_slice %arg3[%add3A_4] : memref<5120xi32, #tpu.memory_space<hbm>> -> memref<32xi32, #tpu.memory_space<hbm>>
      tpu.wait_dma2 semaphore(%run_scoped3A_268 : memref<!tpu.dma_semaphore, #tpu.memory_space<semaphore_mem>>) src(%dma_wait3A_284 : memref<32xi32, #tpu.memory_space<hbm>>) dst(%dma_wait3A_283 : memref<32xi32, #tpu.memory_space<vmem>>)
      tpu.yield
    }) : () -> ()
    %add3A_5 = arith.constant 32 : i32
    %add3A_6 = arith.addi %mul3A_2, %add3A_5 : i32
    %run_scoped3A_7 = arith.constant 1 : i32
    "tpu.region"() ({
      %run_scoped3A_268 = tpu.sem_alloc : memref<!tpu.dma_semaphore, #tpu.memory_space<semaphore_mem>>
      %dma_start3A_269 = arith.constant 0 : i32
      %dma_start3A_270 = tpu.memref_slice %arg5[%run_scoped3A_7, %dma_start3A_269] : memref<4x32xi32, #tpu.memory_space<vmem>> -> memref<1x32xi32, #tpu.memory_space<vmem>>
      %dma_start3A_271 = tpu.memref_squeeze %dma_start3A_270 : memref<1x32xi32, #tpu.memory_space<vmem>> -> memref<32xi32, #tpu.memory_space<vmem>>
      %dma_start3A_272 = tpu.memref_slice %arg3[%add3A_6] : memref<5120xi32, #tpu.memory_space<hbm>> -> memref<32xi32, #tpu.memory_space<hbm>>
      %dma_start3A_273 = arith.constant 0 : i32
      %dma_start3A_274 = tpu.memref_slice %arg5[%run_scoped3A_7, %dma_start3A_273] : memref<4x32xi32, #tpu.memory_space<vmem>> -> memref<1x32xi32, #tpu.memory_space<vmem>>
      %dma_start3A_275 = tpu.memref_squeeze %dma_start3A_274 : memref<1x32xi32, #tpu.memory_space<vmem>> -> memref<32xi32, #tpu.memory_space<vmem>>
      %dma_start3A_276 = tpu.memref_slice %arg3[%add3A_6] : memref<5120xi32, #tpu.memory_space<hbm>> -> memref<32xi32, #tpu.memory_space<hbm>>
      tpu.enqueue_dma source(%dma_start3A_276 : memref<32xi32, #tpu.memory_space<hbm>>) target(%dma_start3A_275 : memref<32xi32, #tpu.memory_space<vmem>>) target_semaphore(%run_scoped3A_268 : memref<!tpu.dma_semaphore, #tpu.memory_space<semaphore_mem>>)
      %dma_wait3A_277 = arith.constant 0 : i32
      %dma_wait3A_278 = tpu.memref_slice %arg5[%run_scoped3A_7, %dma_wait3A_277] : memref<4x32xi32, #tpu.memory_space<vmem>> -> memref<1x32xi32, #tpu.memory_space<vmem>>
      %dma_wait3A_279 = tpu.memref_squeeze %dma_wait3A_278 : memref<1x32xi32, #tpu.memory_space<vmem>> -> memref<32xi32, #tpu.memory_space<vmem>>
      %dma_wait3A_280 = tpu.memref_slice %arg3[%add3A_6] : memref<5120xi32, #tpu.memory_space<hbm>> -> memref<32xi32, #tpu.memory_space<hbm>>
      %dma_wait3A_281 = arith.constant 0 : i32
      %dma_wait3A_282 = tpu.memref_slice %arg5[%run_scoped3A_7, %dma_wait3A_281] : memref<4x32xi32, #tpu.memory_space<vmem>> -> memref<1x32xi32, #tpu.memory_space<vmem>>
      %dma_wait3A_283 = tpu.memref_squeeze %dma_wait3A_282 : memref<1x32xi32, #tpu.memory_space<vmem>> -> memref<32xi32, #tpu.memory_space<vmem>>
      %dma_wait3A_284 = tpu.memref_slice %arg3[%add3A_6] : memref<5120xi32, #tpu.memory_space<hbm>> -> memref<32xi32, #tpu.memory_space<hbm>>
      tpu.wait_dma2 semaphore(%run_scoped3A_268 : memref<!tpu.dma_semaphore, #tpu.memory_space<semaphore_mem>>) src(%dma_wait3A_284 : memref<32xi32, #tpu.memory_space<hbm>>) dst(%dma_wait3A_283 : memref<32xi32, #tpu.memory_space<vmem>>)
      tpu.yield
    }) : () -> ()
    %add3A_8 = arith.constant 64 : i32
    %add3A_9 = arith.addi %mul3A_2, %add3A_8 : i32
    %run_scoped3A_10 = arith.constant 2 : i32
    "tpu.region"() ({
      %run_scoped3A_268 = tpu.sem_alloc : memref<!tpu.dma_semaphore, #tpu.memory_space<semaphore_mem>>
      %dma_start3A_269 = arith.constant 0 : i32
      %dma_start3A_270 = tpu.memref_slice %arg5[%run_scoped3A_10, %dma_start3A_269] : memref<4x32xi32, #tpu.memory_space<vmem>> -> memref<1x32xi32, #tpu.memory_space<vmem>>
      %dma_start3A_271 = tpu.memref_squeeze %dma_start3A_270 : memref<1x32xi32, #tpu.memory_space<vmem>> -> memref<32xi32, #tpu.memory_space<vmem>>
      %dma_start3A_272 = tpu.memref_slice %arg3[%add3A_9] : memref<5120xi32, #tpu.memory_space<hbm>> -> memref<32xi32, #tpu.memory_space<hbm>>
      %dma_start3A_273 = arith.constant 0 : i32
      %dma_start3A_274 = tpu.memref_slice %arg5[%run_scoped3A_10, %dma_start3A_273] : memref<4x32xi32, #tpu.memory_space<vmem>> -> memref<1x32xi32, #tpu.memory_space<vmem>>
      %dma_start3A_275 = tpu.memref_squeeze %dma_start3A_274 : memref<1x32xi32, #tpu.memory_space<vmem>> -> memref<32xi32, #tpu.memory_space<vmem>>
      %dma_start3A_276 = tpu.memref_slice %arg3[%add3A_9] : memref<5120xi32, #tpu.memory_space<hbm>> -> memref<32xi32, #tpu.memory_space<hbm>>
      tpu.enqueue_dma source(%dma_start3A_276 : memref<32xi32, #tpu.memory_space<hbm>>) target(%dma_start3A_275 : memref<32xi32, #tpu.memory_space<vmem>>) target_semaphore(%run_scoped3A_268 : memref<!tpu.dma_semaphore, #tpu.memory_space<semaphore_mem>>)
      %dma_wait3A_277 = arith.constant 0 : i32
      %dma_wait3A_278 = tpu.memref_slice %arg5[%run_scoped3A_10, %dma_wait3A_277] : memref<4x32xi32, #tpu.memory_space<vmem>> -> memref<1x32xi32, #tpu.memory_space<vmem>>
      %dma_wait3A_279 = tpu.memref_squeeze %dma_wait3A_278 : memref<1x32xi32, #tpu.memory_space<vmem>> -> memref<32xi32, #tpu.memory_space<vmem>>
      %dma_wait3A_280 = tpu.memref_slice %arg3[%add3A_9] : memref<5120xi32, #tpu.memory_space<hbm>> -> memref<32xi32, #tpu.memory_space<hbm>>
      %dma_wait3A_281 = arith.constant 0 : i32
      %dma_wait3A_282 = tpu.memref_slice %arg5[%run_scoped3A_10, %dma_wait3A_281] : memref<4x32xi32, #tpu.memory_space<vmem>> -> memref<1x32xi32, #tpu.memory_space<vmem>>
      %dma_wait3A_283 = tpu.memref_squeeze %dma_wait3A_282 : memref<1x32xi32, #tpu.memory_space<vmem>> -> memref<32xi32, #tpu.memory_space<vmem>>
      %dma_wait3A_284 = tpu.memref_slice %arg3[%add3A_9] : memref<5120xi32, #tpu.memory_space<hbm>> -> memref<32xi32, #tpu.memory_space<hbm>>
      tpu.wait_dma2 semaphore(%run_scoped3A_268 : memref<!tpu.dma_semaphore, #tpu.memory_space<semaphore_mem>>) src(%dma_wait3A_284 : memref<32xi32, #tpu.memory_space<hbm>>) dst(%dma_wait3A_283 : memref<32xi32, #tpu.memory_space<vmem>>)
      tpu.yield
    }) : () -> ()
    %add3A_11 = arith.constant 96 : i32
    %add3A_12 = arith.addi %mul3A_2, %add3A_11 : i32
    %run_scoped3A_13 = arith.constant 3 : i32
    "tpu.region"() ({
      %run_scoped3A_268 = tpu.sem_alloc : memref<!tpu.dma_semaphore, #tpu.memory_space<semaphore_mem>>
      %dma_start3A_269 = arith.constant 0 : i32
      %dma_start3A_270 = tpu.memref_slice %arg5[%run_scoped3A_13, %dma_start3A_269] : memref<4x32xi32, #tpu.memory_space<vmem>> -> memref<1x32xi32, #tpu.memory_space<vmem>>
      %dma_start3A_271 = tpu.memref_squeeze %dma_start3A_270 : memref<1x32xi32, #tpu.memory_space<vmem>> -> memref<32xi32, #tpu.memory_space<vmem>>
      %dma_start3A_272 = tpu.memref_slice %arg3[%add3A_12] : memref<5120xi32, #tpu.memory_space<hbm>> -> memref<32xi32, #tpu.memory_space<hbm>>
      %dma_start3A_273 = arith.constant 0 : i32
      %dma_start3A_274 = tpu.memref_slice %arg5[%run_scoped3A_13, %dma_start3A_273] : memref<4x32xi32, #tpu.memory_space<vmem>> -> memref<1x32xi32, #tpu.memory_space<vmem>>
      %dma_start3A_275 = tpu.memref_squeeze %dma_start3A_274 : memref<1x32xi32, #tpu.memory_space<vmem>> -> memref<32xi32, #tpu.memory_space<vmem>>
      %dma_start3A_276 = tpu.memref_slice %arg3[%add3A_12] : memref<5120xi32, #tpu.memory_space<hbm>> -> memref<32xi32, #tpu.memory_space<hbm>>
      tpu.enqueue_dma source(%dma_start3A_276 : memref<32xi32, #tpu.memory_space<hbm>>) target(%dma_start3A_275 : memref<32xi32, #tpu.memory_space<vmem>>) target_semaphore(%run_scoped3A_268 : memref<!tpu.dma_semaphore, #tpu.memory_space<semaphore_mem>>)
      %dma_wait3A_277 = arith.constant 0 : i32
      %dma_wait3A_278 = tpu.memref_slice %arg5[%run_scoped3A_13, %dma_wait3A_277] : memref<4x32xi32, #tpu.memory_space<vmem>> -> memref<1x32xi32, #tpu.memory_space<vmem>>
      %dma_wait3A_279 = tpu.memref_squeeze %dma_wait3A_278 : memref<1x32xi32, #tpu.memory_space<vmem>> -> memref<32xi32, #tpu.memory_space<vmem>>
      %dma_wait3A_280 = tpu.memref_slice %arg3[%add3A_12] : memref<5120xi32, #tpu.memory_space<hbm>> -> memref<32xi32, #tpu.memory_space<hbm>>
      %dma_wait3A_281 = arith.constant 0 : i32
      %dma_wait3A_282 = tpu.memref_slice %arg5[%run_scoped3A_13, %dma_wait3A_281] : memref<4x32xi32, #tpu.memory_space<vmem>> -> memref<1x32xi32, #tpu.memory_space<vmem>>
      %dma_wait3A_283 = tpu.memref_squeeze %dma_wait3A_282 : memref<1x32xi32, #tpu.memory_space<vmem>> -> memref<32xi32, #tpu.memory_space<vmem>>
      %dma_wait3A_284 = tpu.memref_slice %arg3[%add3A_12] : memref<5120xi32, #tpu.memory_space<hbm>> -> memref<32xi32, #tpu.memory_space<hbm>>
      tpu.wait_dma2 semaphore(%run_scoped3A_268 : memref<!tpu.dma_semaphore, #tpu.memory_space<semaphore_mem>>) src(%dma_wait3A_284 : memref<32xi32, #tpu.memory_space<hbm>>) dst(%dma_wait3A_283 : memref<32xi32, #tpu.memory_space<vmem>>)
      tpu.yield
    }) : () -> ()
    %add3A_14 = arith.constant 0 : i32
    %add3A_15 = arith.addi %mul3A_2, %add3A_14 : i32
    %dma_start3A = arith.constant 0 : i32
    %dma_start3A_16 = arith.constant 0 : i32
    %dma_start3A_17 = arith.constant 0 : i32
    %dma_start3A_18 = arith.constant 0 : i32
    %dma_start3A_19 = tpu.memref_slice %arg6[%dma_start3A, %dma_start3A_17, %dma_start3A_18] : memref<2x32x1152xf32, #tpu.memory_space<vmem>> -> memref<1x32x1152xf32, #tpu.memory_space<vmem>>
    %dma_start3A_20 = tpu.memref_squeeze %dma_start3A_19 : memref<1x32x1152xf32, #tpu.memory_space<vmem>> -> memref<32x1152xf32, #tpu.memory_space<vmem>>
    %dma_start3A_21 = arith.constant 0 : i32
    %dma_start3A_22 = tpu.memref_slice %arg2[%add3A_15, %dma_start3A_21] : memref<5120x1152xf32, #tpu.memory_space<hbm>> -> memref<32x1152xf32, #tpu.memory_space<hbm>>
    %dma_start3A_23 = tpu.memref_slice %arg7[%dma_start3A_16] : memref<2x!tpu.dma_semaphore, #tpu.memory_space<semaphore_mem>> -> memref<1x!tpu.dma_semaphore, #tpu.memory_space<semaphore_mem>>
    %dma_start3A_24 = tpu.memref_squeeze %dma_start3A_23 : memref<1x!tpu.dma_semaphore, #tpu.memory_space<semaphore_mem>> -> memref<!tpu.dma_semaphore, #tpu.memory_space<semaphore_mem>>
    %dma_start3A_25 = arith.constant 0 : i32
    %dma_start3A_26 = arith.constant 0 : i32
    %dma_start3A_27 = tpu.memref_slice %arg6[%dma_start3A, %dma_start3A_25, %dma_start3A_26] : memref<2x32x1152xf32, #tpu.memory_space<vmem>> -> memref<1x32x1152xf32, #tpu.memory_space<vmem>>
    %dma_start3A_28 = tpu.memref_squeeze %dma_start3A_27 : memref<1x32x1152xf32, #tpu.memory_space<vmem>> -> memref<32x1152xf32, #tpu.memory_space<vmem>>
    %dma_start3A_29 = arith.constant 0 : i32
    %dma_start3A_30 = tpu.memref_slice %arg2[%add3A_15, %dma_start3A_29] : memref<5120x1152xf32, #tpu.memory_space<hbm>> -> memref<32x1152xf32, #tpu.memory_space<hbm>>
    tpu.enqueue_dma source(%dma_start3A_30 : memref<32x1152xf32, #tpu.memory_space<hbm>>) target(%dma_start3A_28 : memref<32x1152xf32, #tpu.memory_space<vmem>>) target_semaphore(%dma_start3A_24 : memref<!tpu.dma_semaphore, #tpu.memory_space<semaphore_mem>>)
    %add3A_31 = arith.constant 32 : i32
    %add3A_32 = arith.addi %mul3A_2, %add3A_31 : i32
    %dma_start3A_33 = arith.constant 1 : i32
    %dma_start3A_34 = arith.constant 1 : i32
    %dma_start3A_35 = arith.constant 0 : i32
    %dma_start3A_36 = arith.constant 0 : i32
    %dma_start3A_37 = tpu.memref_slice %arg6[%dma_start3A_33, %dma_start3A_35, %dma_start3A_36] : memref<2x32x1152xf32, #tpu.memory_space<vmem>> -> memref<1x32x1152xf32, #tpu.memory_space<vmem>>
    %dma_start3A_38 = tpu.memref_squeeze %dma_start3A_37 : memref<1x32x1152xf32, #tpu.memory_space<vmem>> -> memref<32x1152xf32, #tpu.memory_space<vmem>>
    %dma_start3A_39 = arith.constant 0 : i32
    %dma_start3A_40 = tpu.memref_slice %arg2[%add3A_32, %dma_start3A_39] : memref<5120x1152xf32, #tpu.memory_space<hbm>> -> memref<32x1152xf32, #tpu.memory_space<hbm>>
    %dma_start3A_41 = tpu.memref_slice %arg7[%dma_start3A_34] : memref<2x!tpu.dma_semaphore, #tpu.memory_space<semaphore_mem>> -> memref<1x!tpu.dma_semaphore, #tpu.memory_space<semaphore_mem>>
    %dma_start3A_42 = tpu.memref_squeeze %dma_start3A_41 : memref<1x!tpu.dma_semaphore, #tpu.memory_space<semaphore_mem>> -> memref<!tpu.dma_semaphore, #tpu.memory_space<semaphore_mem>>
    %dma_start3A_43 = arith.constant 0 : i32
    %dma_start3A_44 = arith.constant 0 : i32
    %dma_start3A_45 = tpu.memref_slice %arg6[%dma_start3A_33, %dma_start3A_43, %dma_start3A_44] : memref<2x32x1152xf32, #tpu.memory_space<vmem>> -> memref<1x32x1152xf32, #tpu.memory_space<vmem>>
    %dma_start3A_46 = tpu.memref_squeeze %dma_start3A_45 : memref<1x32x1152xf32, #tpu.memory_space<vmem>> -> memref<32x1152xf32, #tpu.memory_space<vmem>>
    %dma_start3A_47 = arith.constant 0 : i32
    %dma_start3A_48 = tpu.memref_slice %arg2[%add3A_32, %dma_start3A_47] : memref<5120x1152xf32, #tpu.memory_space<hbm>> -> memref<32x1152xf32, #tpu.memory_space<hbm>>
    tpu.enqueue_dma source(%dma_start3A_48 : memref<32x1152xf32, #tpu.memory_space<hbm>>) target(%dma_start3A_46 : memref<32x1152xf32, #tpu.memory_space<vmem>>) target_semaphore(%dma_start3A_42 : memref<!tpu.dma_semaphore, #tpu.memory_space<semaphore_mem>>)
    %dma_wait3A = arith.constant 0 : i32
    %dma_wait3A_49 = arith.constant 0 : i32
    %dma_wait3A_50 = arith.constant 0 : i32
    %dma_wait3A_51 = arith.constant 0 : i32
    %dma_wait3A_52 = tpu.memref_slice %arg6[%dma_wait3A, %dma_wait3A_50, %dma_wait3A_51] : memref<2x32x1152xf32, #tpu.memory_space<vmem>> -> memref<1x32x1152xf32, #tpu.memory_space<vmem>>
    %dma_wait3A_53 = tpu.memref_squeeze %dma_wait3A_52 : memref<1x32x1152xf32, #tpu.memory_space<vmem>> -> memref<32x1152xf32, #tpu.memory_space<vmem>>
    %dma_wait3A_54 = arith.constant 0 : i32
    %dma_wait3A_55 = tpu.memref_slice %arg2[%add3A_15, %dma_wait3A_54] : memref<5120x1152xf32, #tpu.memory_space<hbm>> -> memref<32x1152xf32, #tpu.memory_space<hbm>>
    %dma_wait3A_56 = tpu.memref_slice %arg7[%dma_wait3A_49] : memref<2x!tpu.dma_semaphore, #tpu.memory_space<semaphore_mem>> -> memref<1x!tpu.dma_semaphore, #tpu.memory_space<semaphore_mem>>
    %dma_wait3A_57 = tpu.memref_squeeze %dma_wait3A_56 : memref<1x!tpu.dma_semaphore, #tpu.memory_space<semaphore_mem>> -> memref<!tpu.dma_semaphore, #tpu.memory_space<semaphore_mem>>
    %dma_wait3A_58 = arith.constant 0 : i32
    %dma_wait3A_59 = arith.constant 0 : i32
    %dma_wait3A_60 = tpu.memref_slice %arg6[%dma_wait3A, %dma_wait3A_58, %dma_wait3A_59] : memref<2x32x1152xf32, #tpu.memory_space<vmem>> -> memref<1x32x1152xf32, #tpu.memory_space<vmem>>
    %dma_wait3A_61 = tpu.memref_squeeze %dma_wait3A_60 : memref<1x32x1152xf32, #tpu.memory_space<vmem>> -> memref<32x1152xf32, #tpu.memory_space<vmem>>
    %dma_wait3A_62 = arith.constant 0 : i32
    %dma_wait3A_63 = tpu.memref_slice %arg2[%add3A_15, %dma_wait3A_62] : memref<5120x1152xf32, #tpu.memory_space<hbm>> -> memref<32x1152xf32, #tpu.memory_space<hbm>>
    tpu.wait_dma2 semaphore(%dma_wait3A_57 : memref<!tpu.dma_semaphore, #tpu.memory_space<semaphore_mem>>) src(%dma_wait3A_63 : memref<32x1152xf32, #tpu.memory_space<hbm>>) dst(%dma_wait3A_61 : memref<32x1152xf32, #tpu.memory_space<vmem>>)
    %dma_start3A_64 = arith.constant 0 : i32
    %dma_start3A_65 = arith.constant 0 : i32
    %dma_start3A_66 = arith.constant 0 : i32
    %dma_start3A_67 = arith.constant 0 : i32
    %dma_start3A_68 = arith.constant 0 : i32
    %dma_start3A_69 = tpu.memref_slice %arg6[%dma_start3A_64, %dma_start3A_67, %dma_start3A_68] : memref<2x32x1152xf32, #tpu.memory_space<vmem>> -> memref<1x32x1152xf32, #tpu.memory_space<vmem>>
    %dma_start3A_70 = tpu.memref_squeeze %dma_start3A_69 : memref<1x32x1152xf32, #tpu.memory_space<vmem>> -> memref<32x1152xf32, #tpu.memory_space<vmem>>
    %dma_start3A_71 = arith.constant 0 : i32
    %dma_start3A_72 = tpu.memref_slice %arg5[%dma_start3A_65, %dma_start3A_71] : memref<4x32xi32, #tpu.memory_space<vmem>> -> memref<1x32xi32, #tpu.memory_space<vmem>>
    %dma_start3A_73 = tpu.memref_squeeze %dma_start3A_72 : memref<1x32xi32, #tpu.memory_space<vmem>> -> memref<32xi32, #tpu.memory_space<vmem>>
    %dma_start3A_74 = arith.constant 0 : i32
    %dma_start3A_75 = arith.constant 0 : i32
    %dma_start3A_76 = tpu.memref_slice %arg4[%dma_start3A_74, %dma_start3A_75] : memref<6144x1152xf32, #tpu.memory_space<hbm>> -> memref<6144x1152xf32, #tpu.memory_space<hbm>>
    %dma_start3A_77 = tpu.memref_slice %arg8[%dma_start3A_66] : memref<2x!tpu.dma_semaphore, #tpu.memory_space<semaphore_mem>> -> memref<1x!tpu.dma_semaphore, #tpu.memory_space<semaphore_mem>>
    %dma_start3A_78 = tpu.memref_squeeze %dma_start3A_77 : memref<1x!tpu.dma_semaphore, #tpu.memory_space<semaphore_mem>> -> memref<!tpu.dma_semaphore, #tpu.memory_space<semaphore_mem>>
    tpu.enqueue_indirect_dma source(%dma_start3A_70 : memref<32x1152xf32, #tpu.memory_space<vmem>>) target(%dma_start3A_76 : memref<6144x1152xf32, #tpu.memory_space<hbm>>) offsets(%dma_start3A_73 : memref<32xi32, #tpu.memory_space<vmem>>) semaphore(%dma_start3A_78 : memref<!tpu.dma_semaphore, #tpu.memory_space<semaphore_mem>>)
    %dma_wait3A_79 = arith.constant 0 : i32
    %dma_wait3A_80 = arith.constant 0 : i32
    %dma_wait3A_81 = arith.constant 0 : i32
    %dma_wait3A_82 = arith.constant 0 : i32
    %dma_wait3A_83 = arith.constant 0 : i32
    %dma_wait3A_84 = tpu.memref_slice %arg6[%dma_wait3A_79, %dma_wait3A_82, %dma_wait3A_83] : memref<2x32x1152xf32, #tpu.memory_space<vmem>> -> memref<1x32x1152xf32, #tpu.memory_space<vmem>>
    %dma_wait3A_85 = tpu.memref_squeeze %dma_wait3A_84 : memref<1x32x1152xf32, #tpu.memory_space<vmem>> -> memref<32x1152xf32, #tpu.memory_space<vmem>>
    %dma_wait3A_86 = arith.constant 0 : i32
    %dma_wait3A_87 = tpu.memref_slice %arg5[%dma_wait3A_80, %dma_wait3A_86] : memref<4x32xi32, #tpu.memory_space<vmem>> -> memref<1x32xi32, #tpu.memory_space<vmem>>
    %dma_wait3A_88 = tpu.memref_squeeze %dma_wait3A_87 : memref<1x32xi32, #tpu.memory_space<vmem>> -> memref<32xi32, #tpu.memory_space<vmem>>
    %dma_wait3A_89 = arith.constant 0 : i32
    %dma_wait3A_90 = arith.constant 0 : i32
    %dma_wait3A_91 = tpu.memref_slice %arg4[%dma_wait3A_89, %dma_wait3A_90] : memref<6144x1152xf32, #tpu.memory_space<hbm>> -> memref<6144x1152xf32, #tpu.memory_space<hbm>>
    %dma_wait3A_92 = tpu.memref_slice %arg8[%dma_wait3A_81] : memref<2x!tpu.dma_semaphore, #tpu.memory_space<semaphore_mem>> -> memref<1x!tpu.dma_semaphore, #tpu.memory_space<semaphore_mem>>
    %dma_wait3A_93 = tpu.memref_squeeze %dma_wait3A_92 : memref<1x!tpu.dma_semaphore, #tpu.memory_space<semaphore_mem>> -> memref<!tpu.dma_semaphore, #tpu.memory_space<semaphore_mem>>
    tpu.wait_indirect_dma semaphore(%dma_wait3A_93 : memref<!tpu.dma_semaphore, #tpu.memory_space<semaphore_mem>>) src(%dma_wait3A_85 : memref<32x1152xf32, #tpu.memory_space<vmem>>) dst(%dma_wait3A_91 : memref<6144x1152xf32, #tpu.memory_space<hbm>>)
    %add3A_94 = arith.constant 64 : i32
    %add3A_95 = arith.addi %mul3A_2, %add3A_94 : i32
    %dma_start3A_96 = arith.constant 0 : i32
    %dma_start3A_97 = arith.constant 0 : i32
    %dma_start3A_98 = arith.constant 0 : i32
    %dma_start3A_99 = arith.constant 0 : i32
    %dma_start3A_100 = tpu.memref_slice %arg6[%dma_start3A_96, %dma_start3A_98, %dma_start3A_99] : memref<2x32x1152xf32, #tpu.memory_space<vmem>> -> memref<1x32x1152xf32, #tpu.memory_space<vmem>>
    %dma_start3A_101 = tpu.memref_squeeze %dma_start3A_100 : memref<1x32x1152xf32, #tpu.memory_space<vmem>> -> memref<32x1152xf32, #tpu.memory_space<vmem>>
    %dma_start3A_102 = arith.constant 0 : i32
    %dma_start3A_103 = tpu.memref_slice %arg2[%add3A_95, %dma_start3A_102] : memref<5120x1152xf32, #tpu.memory_space<hbm>> -> memref<32x1152xf32, #tpu.memory_space<hbm>>
    %dma_start3A_104 = tpu.memref_slice %arg7[%dma_start3A_97] : memref<2x!tpu.dma_semaphore, #tpu.memory_space<semaphore_mem>> -> memref<1x!tpu.dma_semaphore, #tpu.memory_space<semaphore_mem>>
    %dma_start3A_105 = tpu.memref_squeeze %dma_start3A_104 : memref<1x!tpu.dma_semaphore, #tpu.memory_space<semaphore_mem>> -> memref<!tpu.dma_semaphore, #tpu.memory_space<semaphore_mem>>
    %dma_start3A_106 = arith.constant 0 : i32
    %dma_start3A_107 = arith.constant 0 : i32
    %dma_start3A_108 = tpu.memref_slice %arg6[%dma_start3A_96, %dma_start3A_106, %dma_start3A_107] : memref<2x32x1152xf32, #tpu.memory_space<vmem>> -> memref<1x32x1152xf32, #tpu.memory_space<vmem>>
    %dma_start3A_109 = tpu.memref_squeeze %dma_start3A_108 : memref<1x32x1152xf32, #tpu.memory_space<vmem>> -> memref<32x1152xf32, #tpu.memory_space<vmem>>
    %dma_start3A_110 = arith.constant 0 : i32
    %dma_start3A_111 = tpu.memref_slice %arg2[%add3A_95, %dma_start3A_110] : memref<5120x1152xf32, #tpu.memory_space<hbm>> -> memref<32x1152xf32, #tpu.memory_space<hbm>>
    tpu.enqueue_dma source(%dma_start3A_111 : memref<32x1152xf32, #tpu.memory_space<hbm>>) target(%dma_start3A_109 : memref<32x1152xf32, #tpu.memory_space<vmem>>) target_semaphore(%dma_start3A_105 : memref<!tpu.dma_semaphore, #tpu.memory_space<semaphore_mem>>)
    %dma_wait3A_112 = arith.constant 1 : i32
    %dma_wait3A_113 = arith.constant 1 : i32
    %dma_wait3A_114 = arith.constant 0 : i32
    %dma_wait3A_115 = arith.constant 0 : i32
    %dma_wait3A_116 = tpu.memref_slice %arg6[%dma_wait3A_112, %dma_wait3A_114, %dma_wait3A_115] : memref<2x32x1152xf32, #tpu.memory_space<vmem>> -> memref<1x32x1152xf32, #tpu.memory_space<vmem>>
    %dma_wait3A_117 = tpu.memref_squeeze %dma_wait3A_116 : memref<1x32x1152xf32, #tpu.memory_space<vmem>> -> memref<32x1152xf32, #tpu.memory_space<vmem>>
    %dma_wait3A_118 = arith.constant 0 : i32
    %dma_wait3A_119 = tpu.memref_slice %arg2[%add3A_32, %dma_wait3A_118] : memref<5120x1152xf32, #tpu.memory_space<hbm>> -> memref<32x1152xf32, #tpu.memory_space<hbm>>
    %dma_wait3A_120 = tpu.memref_slice %arg7[%dma_wait3A_113] : memref<2x!tpu.dma_semaphore, #tpu.memory_space<semaphore_mem>> -> memref<1x!tpu.dma_semaphore, #tpu.memory_space<semaphore_mem>>
    %dma_wait3A_121 = tpu.memref_squeeze %dma_wait3A_120 : memref<1x!tpu.dma_semaphore, #tpu.memory_space<semaphore_mem>> -> memref<!tpu.dma_semaphore, #tpu.memory_space<semaphore_mem>>
    %dma_wait3A_122 = arith.constant 0 : i32
    %dma_wait3A_123 = arith.constant 0 : i32
    %dma_wait3A_124 = tpu.memref_slice %arg6[%dma_wait3A_112, %dma_wait3A_122, %dma_wait3A_123] : memref<2x32x1152xf32, #tpu.memory_space<vmem>> -> memref<1x32x1152xf32, #tpu.memory_space<vmem>>
    %dma_wait3A_125 = tpu.memref_squeeze %dma_wait3A_124 : memref<1x32x1152xf32, #tpu.memory_space<vmem>> -> memref<32x1152xf32, #tpu.memory_space<vmem>>
    %dma_wait3A_126 = arith.constant 0 : i32
    %dma_wait3A_127 = tpu.memref_slice %arg2[%add3A_32, %dma_wait3A_126] : memref<5120x1152xf32, #tpu.memory_space<hbm>> -> memref<32x1152xf32, #tpu.memory_space<hbm>>
    tpu.wait_dma2 semaphore(%dma_wait3A_121 : memref<!tpu.dma_semaphore, #tpu.memory_space<semaphore_mem>>) src(%dma_wait3A_127 : memref<32x1152xf32, #tpu.memory_space<hbm>>) dst(%dma_wait3A_125 : memref<32x1152xf32, #tpu.memory_space<vmem>>)
    %dma_start3A_128 = arith.constant 1 : i32
    %dma_start3A_129 = arith.constant 1 : i32
    %dma_start3A_130 = arith.constant 1 : i32
    %dma_start3A_131 = arith.constant 0 : i32
    %dma_start3A_132 = arith.constant 0 : i32
    %dma_start3A_133 = tpu.memref_slice %arg6[%dma_start3A_128, %dma_start3A_131, %dma_start3A_132] : memref<2x32x1152xf32, #tpu.memory_space<vmem>> -> memref<1x32x1152xf32, #tpu.memory_space<vmem>>
    %dma_start3A_134 = tpu.memref_squeeze %dma_start3A_133 : memref<1x32x1152xf32, #tpu.memory_space<vmem>> -> memref<32x1152xf32, #tpu.memory_space<vmem>>
    %dma_start3A_135 = arith.constant 0 : i32
    %dma_start3A_136 = tpu.memref_slice %arg5[%dma_start3A_129, %dma_start3A_135] : memref<4x32xi32, #tpu.memory_space<vmem>> -> memref<1x32xi32, #tpu.memory_space<vmem>>
    %dma_start3A_137 = tpu.memref_squeeze %dma_start3A_136 : memref<1x32xi32, #tpu.memory_space<vmem>> -> memref<32xi32, #tpu.memory_space<vmem>>
    %dma_start3A_138 = arith.constant 0 : i32
    %dma_start3A_139 = arith.constant 0 : i32
    %dma_start3A_140 = tpu.memref_slice %arg4[%dma_start3A_138, %dma_start3A_139] : memref<6144x1152xf32, #tpu.memory_space<hbm>> -> memref<6144x1152xf32, #tpu.memory_space<hbm>>
    %dma_start3A_141 = tpu.memref_slice %arg8[%dma_start3A_130] : memref<2x!tpu.dma_semaphore, #tpu.memory_space<semaphore_mem>> -> memref<1x!tpu.dma_semaphore, #tpu.memory_space<semaphore_mem>>
    %dma_start3A_142 = tpu.memref_squeeze %dma_start3A_141 : memref<1x!tpu.dma_semaphore, #tpu.memory_space<semaphore_mem>> -> memref<!tpu.dma_semaphore, #tpu.memory_space<semaphore_mem>>
    tpu.enqueue_indirect_dma source(%dma_start3A_134 : memref<32x1152xf32, #tpu.memory_space<vmem>>) target(%dma_start3A_140 : memref<6144x1152xf32, #tpu.memory_space<hbm>>) offsets(%dma_start3A_137 : memref<32xi32, #tpu.memory_space<vmem>>) semaphore(%dma_start3A_142 : memref<!tpu.dma_semaphore, #tpu.memory_space<semaphore_mem>>)
    %dma_wait3A_143 = arith.constant 1 : i32
    %dma_wait3A_144 = arith.constant 1 : i32
    %dma_wait3A_145 = arith.constant 1 : i32
    %dma_wait3A_146 = arith.constant 0 : i32
    %dma_wait3A_147 = arith.constant 0 : i32
    %dma_wait3A_148 = tpu.memref_slice %arg6[%dma_wait3A_143, %dma_wait3A_146, %dma_wait3A_147] : memref<2x32x1152xf32, #tpu.memory_space<vmem>> -> memref<1x32x1152xf32, #tpu.memory_space<vmem>>
    %dma_wait3A_149 = tpu.memref_squeeze %dma_wait3A_148 : memref<1x32x1152xf32, #tpu.memory_space<vmem>> -> memref<32x1152xf32, #tpu.memory_space<vmem>>
    %dma_wait3A_150 = arith.constant 0 : i32
    %dma_wait3A_151 = tpu.memref_slice %arg5[%dma_wait3A_144, %dma_wait3A_150] : memref<4x32xi32, #tpu.memory_space<vmem>> -> memref<1x32xi32, #tpu.memory_space<vmem>>
    %dma_wait3A_152 = tpu.memref_squeeze %dma_wait3A_151 : memref<1x32xi32, #tpu.memory_space<vmem>> -> memref<32xi32, #tpu.memory_space<vmem>>
    %dma_wait3A_153 = arith.constant 0 : i32
    %dma_wait3A_154 = arith.constant 0 : i32
    %dma_wait3A_155 = tpu.memref_slice %arg4[%dma_wait3A_153, %dma_wait3A_154] : memref<6144x1152xf32, #tpu.memory_space<hbm>> -> memref<6144x1152xf32, #tpu.memory_space<hbm>>
    %dma_wait3A_156 = tpu.memref_slice %arg8[%dma_wait3A_145] : memref<2x!tpu.dma_semaphore, #tpu.memory_space<semaphore_mem>> -> memref<1x!tpu.dma_semaphore, #tpu.memory_space<semaphore_mem>>
    %dma_wait3A_157 = tpu.memref_squeeze %dma_wait3A_156 : memref<1x!tpu.dma_semaphore, #tpu.memory_space<semaphore_mem>> -> memref<!tpu.dma_semaphore, #tpu.memory_space<semaphore_mem>>
    tpu.wait_indirect_dma semaphore(%dma_wait3A_157 : memref<!tpu.dma_semaphore, #tpu.memory_space<semaphore_mem>>) src(%dma_wait3A_149 : memref<32x1152xf32, #tpu.memory_space<vmem>>) dst(%dma_wait3A_155 : memref<6144x1152xf32, #tpu.memory_space<hbm>>)
    %add3A_158 = arith.constant 96 : i32
    %add3A_159 = arith.addi %mul3A_2, %add3A_158 : i32
    %dma_start3A_160 = arith.constant 1 : i32
    %dma_start3A_161 = arith.constant 1 : i32
    %dma_start3A_162 = arith.constant 0 : i32
    %dma_start3A_163 = arith.constant 0 : i32
    %dma_start3A_164 = tpu.memref_slice %arg6[%dma_start3A_160, %dma_start3A_162, %dma_start3A_163] : memref<2x32x1152xf32, #tpu.memory_space<vmem>> -> memref<1x32x1152xf32, #tpu.memory_space<vmem>>
    %dma_start3A_165 = tpu.memref_squeeze %dma_start3A_164 : memref<1x32x1152xf32, #tpu.memory_space<vmem>> -> memref<32x1152xf32, #tpu.memory_space<vmem>>
    %dma_start3A_166 = arith.constant 0 : i32
    %dma_start3A_167 = tpu.memref_slice %arg2[%add3A_159, %dma_start3A_166] : memref<5120x1152xf32, #tpu.memory_space<hbm>> -> memref<32x1152xf32, #tpu.memory_space<hbm>>
    %dma_start3A_168 = tpu.memref_slice %arg7[%dma_start3A_161] : memref<2x!tpu.dma_semaphore, #tpu.memory_space<semaphore_mem>> -> memref<1x!tpu.dma_semaphore, #tpu.memory_space<semaphore_mem>>
    %dma_start3A_169 = tpu.memref_squeeze %dma_start3A_168 : memref<1x!tpu.dma_semaphore, #tpu.memory_space<semaphore_mem>> -> memref<!tpu.dma_semaphore, #tpu.memory_space<semaphore_mem>>
    %dma_start3A_170 = arith.constant 0 : i32
    %dma_start3A_171 = arith.constant 0 : i32
    %dma_start3A_172 = tpu.memref_slice %arg6[%dma_start3A_160, %dma_start3A_170, %dma_start3A_171] : memref<2x32x1152xf32, #tpu.memory_space<vmem>> -> memref<1x32x1152xf32, #tpu.memory_space<vmem>>
    %dma_start3A_173 = tpu.memref_squeeze %dma_start3A_172 : memref<1x32x1152xf32, #tpu.memory_space<vmem>> -> memref<32x1152xf32, #tpu.memory_space<vmem>>
    %dma_start3A_174 = arith.constant 0 : i32
    %dma_start3A_175 = tpu.memref_slice %arg2[%add3A_159, %dma_start3A_174] : memref<5120x1152xf32, #tpu.memory_space<hbm>> -> memref<32x1152xf32, #tpu.memory_space<hbm>>
    tpu.enqueue_dma source(%dma_start3A_175 : memref<32x1152xf32, #tpu.memory_space<hbm>>) target(%dma_start3A_173 : memref<32x1152xf32, #tpu.memory_space<vmem>>) target_semaphore(%dma_start3A_169 : memref<!tpu.dma_semaphore, #tpu.memory_space<semaphore_mem>>)
    %dma_wait3A_176 = arith.constant 0 : i32
    %dma_wait3A_177 = arith.constant 0 : i32
    %dma_wait3A_178 = arith.constant 0 : i32
    %dma_wait3A_179 = arith.constant 0 : i32
    %dma_wait3A_180 = tpu.memref_slice %arg6[%dma_wait3A_176, %dma_wait3A_178, %dma_wait3A_179] : memref<2x32x1152xf32, #tpu.memory_space<vmem>> -> memref<1x32x1152xf32, #tpu.memory_space<vmem>>
    %dma_wait3A_181 = tpu.memref_squeeze %dma_wait3A_180 : memref<1x32x1152xf32, #tpu.memory_space<vmem>> -> memref<32x1152xf32, #tpu.memory_space<vmem>>
    %dma_wait3A_182 = arith.constant 0 : i32
    %dma_wait3A_183 = tpu.memref_slice %arg2[%add3A_95, %dma_wait3A_182] : memref<5120x1152xf32, #tpu.memory_space<hbm>> -> memref<32x1152xf32, #tpu.memory_space<hbm>>
    %dma_wait3A_184 = tpu.memref_slice %arg7[%dma_wait3A_177] : memref<2x!tpu.dma_semaphore, #tpu.memory_space<semaphore_mem>> -> memref<1x!tpu.dma_semaphore, #tpu.memory_space<semaphore_mem>>
    %dma_wait3A_185 = tpu.memref_squeeze %dma_wait3A_184 : memref<1x!tpu.dma_semaphore, #tpu.memory_space<semaphore_mem>> -> memref<!tpu.dma_semaphore, #tpu.memory_space<semaphore_mem>>
    %dma_wait3A_186 = arith.constant 0 : i32
    %dma_wait3A_187 = arith.constant 0 : i32
    %dma_wait3A_188 = tpu.memref_slice %arg6[%dma_wait3A_176, %dma_wait3A_186, %dma_wait3A_187] : memref<2x32x1152xf32, #tpu.memory_space<vmem>> -> memref<1x32x1152xf32, #tpu.memory_space<vmem>>
    %dma_wait3A_189 = tpu.memref_squeeze %dma_wait3A_188 : memref<1x32x1152xf32, #tpu.memory_space<vmem>> -> memref<32x1152xf32, #tpu.memory_space<vmem>>
    %dma_wait3A_190 = arith.constant 0 : i32
    %dma_wait3A_191 = tpu.memref_slice %arg2[%add3A_95, %dma_wait3A_190] : memref<5120x1152xf32, #tpu.memory_space<hbm>> -> memref<32x1152xf32, #tpu.memory_space<hbm>>
    tpu.wait_dma2 semaphore(%dma_wait3A_185 : memref<!tpu.dma_semaphore, #tpu.memory_space<semaphore_mem>>) src(%dma_wait3A_191 : memref<32x1152xf32, #tpu.memory_space<hbm>>) dst(%dma_wait3A_189 : memref<32x1152xf32, #tpu.memory_space<vmem>>)
    %dma_start3A_192 = arith.constant 0 : i32
    %dma_start3A_193 = arith.constant 2 : i32
    %dma_start3A_194 = arith.constant 0 : i32
    %dma_start3A_195 = arith.constant 0 : i32
    %dma_start3A_196 = arith.constant 0 : i32
    %dma_start3A_197 = tpu.memref_slice %arg6[%dma_start3A_192, %dma_start3A_195, %dma_start3A_196] : memref<2x32x1152xf32, #tpu.memory_space<vmem>> -> memref<1x32x1152xf32, #tpu.memory_space<vmem>>
    %dma_start3A_198 = tpu.memref_squeeze %dma_start3A_197 : memref<1x32x1152xf32, #tpu.memory_space<vmem>> -> memref<32x1152xf32, #tpu.memory_space<vmem>>
    %dma_start3A_199 = arith.constant 0 : i32
    %dma_start3A_200 = tpu.memref_slice %arg5[%dma_start3A_193, %dma_start3A_199] : memref<4x32xi32, #tpu.memory_space<vmem>> -> memref<1x32xi32, #tpu.memory_space<vmem>>
    %dma_start3A_201 = tpu.memref_squeeze %dma_start3A_200 : memref<1x32xi32, #tpu.memory_space<vmem>> -> memref<32xi32, #tpu.memory_space<vmem>>
    %dma_start3A_202 = arith.constant 0 : i32
    %dma_start3A_203 = arith.constant 0 : i32
    %dma_start3A_204 = tpu.memref_slice %arg4[%dma_start3A_202, %dma_start3A_203] : memref<6144x1152xf32, #tpu.memory_space<hbm>> -> memref<6144x1152xf32, #tpu.memory_space<hbm>>
    %dma_start3A_205 = tpu.memref_slice %arg8[%dma_start3A_194] : memref<2x!tpu.dma_semaphore, #tpu.memory_space<semaphore_mem>> -> memref<1x!tpu.dma_semaphore, #tpu.memory_space<semaphore_mem>>
    %dma_start3A_206 = tpu.memref_squeeze %dma_start3A_205 : memref<1x!tpu.dma_semaphore, #tpu.memory_space<semaphore_mem>> -> memref<!tpu.dma_semaphore, #tpu.memory_space<semaphore_mem>>
    tpu.enqueue_indirect_dma source(%dma_start3A_198 : memref<32x1152xf32, #tpu.memory_space<vmem>>) target(%dma_start3A_204 : memref<6144x1152xf32, #tpu.memory_space<hbm>>) offsets(%dma_start3A_201 : memref<32xi32, #tpu.memory_space<vmem>>) semaphore(%dma_start3A_206 : memref<!tpu.dma_semaphore, #tpu.memory_space<semaphore_mem>>)
    %dma_wait3A_207 = arith.constant 0 : i32
    %dma_wait3A_208 = arith.constant 2 : i32
    %dma_wait3A_209 = arith.constant 0 : i32
    %dma_wait3A_210 = arith.constant 0 : i32
    %dma_wait3A_211 = arith.constant 0 : i32
    %dma_wait3A_212 = tpu.memref_slice %arg6[%dma_wait3A_207, %dma_wait3A_210, %dma_wait3A_211] : memref<2x32x1152xf32, #tpu.memory_space<vmem>> -> memref<1x32x1152xf32, #tpu.memory_space<vmem>>
    %dma_wait3A_213 = tpu.memref_squeeze %dma_wait3A_212 : memref<1x32x1152xf32, #tpu.memory_space<vmem>> -> memref<32x1152xf32, #tpu.memory_space<vmem>>
    %dma_wait3A_214 = arith.constant 0 : i32
    %dma_wait3A_215 = tpu.memref_slice %arg5[%dma_wait3A_208, %dma_wait3A_214] : memref<4x32xi32, #tpu.memory_space<vmem>> -> memref<1x32xi32, #tpu.memory_space<vmem>>
    %dma_wait3A_216 = tpu.memref_squeeze %dma_wait3A_215 : memref<1x32xi32, #tpu.memory_space<vmem>> -> memref<32xi32, #tpu.memory_space<vmem>>
    %dma_wait3A_217 = arith.constant 0 : i32
    %dma_wait3A_218 = arith.constant 0 : i32
    %dma_wait3A_219 = tpu.memref_slice %arg4[%dma_wait3A_217, %dma_wait3A_218] : memref<6144x1152xf32, #tpu.memory_space<hbm>> -> memref<6144x1152xf32, #tpu.memory_space<hbm>>
    %dma_wait3A_220 = tpu.memref_slice %arg8[%dma_wait3A_209] : memref<2x!tpu.dma_semaphore, #tpu.memory_space<semaphore_mem>> -> memref<1x!tpu.dma_semaphore, #tpu.memory_space<semaphore_mem>>
    %dma_wait3A_221 = tpu.memref_squeeze %dma_wait3A_220 : memref<1x!tpu.dma_semaphore, #tpu.memory_space<semaphore_mem>> -> memref<!tpu.dma_semaphore, #tpu.memory_space<semaphore_mem>>
    tpu.wait_indirect_dma semaphore(%dma_wait3A_221 : memref<!tpu.dma_semaphore, #tpu.memory_space<semaphore_mem>>) src(%dma_wait3A_213 : memref<32x1152xf32, #tpu.memory_space<vmem>>) dst(%dma_wait3A_219 : memref<6144x1152xf32, #tpu.memory_space<hbm>>)
    %dma_wait3A_222 = arith.constant 1 : i32
    %dma_wait3A_223 = arith.constant 1 : i32
    %dma_wait3A_224 = arith.constant 0 : i32
    %dma_wait3A_225 = arith.constant 0 : i32
    %dma_wait3A_226 = tpu.memref_slice %arg6[%dma_wait3A_222, %dma_wait3A_224, %dma_wait3A_225] : memref<2x32x1152xf32, #tpu.memory_space<vmem>> -> memref<1x32x1152xf32, #tpu.memory_space<vmem>>
    %dma_wait3A_227 = tpu.memref_squeeze %dma_wait3A_226 : memref<1x32x1152xf32, #tpu.memory_space<vmem>> -> memref<32x1152xf32, #tpu.memory_space<vmem>>
    %dma_wait3A_228 = arith.constant 0 : i32
    %dma_wait3A_229 = tpu.memref_slice %arg2[%add3A_159, %dma_wait3A_228] : memref<5120x1152xf32, #tpu.memory_space<hbm>> -> memref<32x1152xf32, #tpu.memory_space<hbm>>
    %dma_wait3A_230 = tpu.memref_slice %arg7[%dma_wait3A_223] : memref<2x!tpu.dma_semaphore, #tpu.memory_space<semaphore_mem>> -> memref<1x!tpu.dma_semaphore, #tpu.memory_space<semaphore_mem>>
    %dma_wait3A_231 = tpu.memref_squeeze %dma_wait3A_230 : memref<1x!tpu.dma_semaphore, #tpu.memory_space<semaphore_mem>> -> memref<!tpu.dma_semaphore, #tpu.memory_space<semaphore_mem>>
    %dma_wait3A_232 = arith.constant 0 : i32
    %dma_wait3A_233 = arith.constant 0 : i32
    %dma_wait3A_234 = tpu.memref_slice %arg6[%dma_wait3A_222, %dma_wait3A_232, %dma_wait3A_233] : memref<2x32x1152xf32, #tpu.memory_space<vmem>> -> memref<1x32x1152xf32, #tpu.memory_space<vmem>>
    %dma_wait3A_235 = tpu.memref_squeeze %dma_wait3A_234 : memref<1x32x1152xf32, #tpu.memory_space<vmem>> -> memref<32x1152xf32, #tpu.memory_space<vmem>>
    %dma_wait3A_236 = arith.constant 0 : i32
    %dma_wait3A_237 = tpu.memref_slice %arg2[%add3A_159, %dma_wait3A_236] : memref<5120x1152xf32, #tpu.memory_space<hbm>> -> memref<32x1152xf32, #tpu.memory_space<hbm>>
    tpu.wait_dma2 semaphore(%dma_wait3A_231 : memref<!tpu.dma_semaphore, #tpu.memory_space<semaphore_mem>>) src(%dma_wait3A_237 : memref<32x1152xf32, #tpu.memory_space<hbm>>) dst(%dma_wait3A_235 : memref<32x1152xf32, #tpu.memory_space<vmem>>)
    %dma_start3A_238 = arith.constant 1 : i32
    %dma_start3A_239 = arith.constant 3 : i32
    %dma_start3A_240 = arith.constant 1 : i32
    %dma_start3A_241 = arith.constant 0 : i32
    %dma_start3A_242 = arith.constant 0 : i32
    %dma_start3A_243 = tpu.memref_slice %arg6[%dma_start3A_238, %dma_start3A_241, %dma_start3A_242] : memref<2x32x1152xf32, #tpu.memory_space<vmem>> -> memref<1x32x1152xf32, #tpu.memory_space<vmem>>
    %dma_start3A_244 = tpu.memref_squeeze %dma_start3A_243 : memref<1x32x1152xf32, #tpu.memory_space<vmem>> -> memref<32x1152xf32, #tpu.memory_space<vmem>>
    %dma_start3A_245 = arith.constant 0 : i32
    %dma_start3A_246 = tpu.memref_slice %arg5[%dma_start3A_239, %dma_start3A_245] : memref<4x32xi32, #tpu.memory_space<vmem>> -> memref<1x32xi32, #tpu.memory_space<vmem>>
    %dma_start3A_247 = tpu.memref_squeeze %dma_start3A_246 : memref<1x32xi32, #tpu.memory_space<vmem>> -> memref<32xi32, #tpu.memory_space<vmem>>
    %dma_start3A_248 = arith.constant 0 : i32
    %dma_start3A_249 = arith.constant 0 : i32
    %dma_start3A_250 = tpu.memref_slice %arg4[%dma_start3A_248, %dma_start3A_249] : memref<6144x1152xf32, #tpu.memory_space<hbm>> -> memref<6144x1152xf32, #tpu.memory_space<hbm>>
    %dma_start3A_251 = tpu.memref_slice %arg8[%dma_start3A_240] : memref<2x!tpu.dma_semaphore, #tpu.memory_space<semaphore_mem>> -> memref<1x!tpu.dma_semaphore, #tpu.memory_space<semaphore_mem>>
    %dma_start3A_252 = tpu.memref_squeeze %dma_start3A_251 : memref<1x!tpu.dma_semaphore, #tpu.memory_space<semaphore_mem>> -> memref<!tpu.dma_semaphore, #tpu.memory_space<semaphore_mem>>
    tpu.enqueue_indirect_dma source(%dma_start3A_244 : memref<32x1152xf32, #tpu.memory_space<vmem>>) target(%dma_start3A_250 : memref<6144x1152xf32, #tpu.memory_space<hbm>>) offsets(%dma_start3A_247 : memref<32xi32, #tpu.memory_space<vmem>>) semaphore(%dma_start3A_252 : memref<!tpu.dma_semaphore, #tpu.memory_space<semaphore_mem>>)
    %dma_wait3A_253 = arith.constant 1 : i32
    %dma_wait3A_254 = arith.constant 3 : i32
    %dma_wait3A_255 = arith.constant 1 : i32
    %dma_wait3A_256 = arith.constant 0 : i32
    %dma_wait3A_257 = arith.constant 0 : i32
    %dma_wait3A_258 = tpu.memref_slice %arg6[%dma_wait3A_253, %dma_wait3A_256, %dma_wait3A_257] : memref<2x32x1152xf32, #tpu.memory_space<vmem>> -> memref<1x32x1152xf32, #tpu.memory_space<vmem>>
    %dma_wait3A_259 = tpu.memref_squeeze %dma_wait3A_258 : memref<1x32x1152xf32, #tpu.memory_space<vmem>> -> memref<32x1152xf32, #tpu.memory_space<vmem>>
    %dma_wait3A_260 = arith.constant 0 : i32
    %dma_wait3A_261 = tpu.memref_slice %arg5[%dma_wait3A_254, %dma_wait3A_260] : memref<4x32xi32, #tpu.memory_space<vmem>> -> memref<1x32xi32, #tpu.memory_space<vmem>>
    %dma_wait3A_262 = tpu.memref_squeeze %dma_wait3A_261 : memref<1x32xi32, #tpu.memory_space<vmem>> -> memref<32xi32, #tpu.memory_space<vmem>>
    %dma_wait3A_263 = arith.constant 0 : i32
    %dma_wait3A_264 = arith.constant 0 : i32
    %dma_wait3A_265 = tpu.memref_slice %arg4[%dma_wait3A_263, %dma_wait3A_264] : memref<6144x1152xf32, #tpu.memory_space<hbm>> -> memref<6144x1152xf32, #tpu.memory_space<hbm>>
    %dma_wait3A_266 = tpu.memref_slice %arg8[%dma_wait3A_255] : memref<2x!tpu.dma_semaphore, #tpu.memory_space<semaphore_mem>> -> memref<1x!tpu.dma_semaphore, #tpu.memory_space<semaphore_mem>>
    %dma_wait3A_267 = tpu.memref_squeeze %dma_wait3A_266 : memref<1x!tpu.dma_semaphore, #tpu.memory_space<semaphore_mem>> -> memref<!tpu.dma_semaphore, #tpu.memory_space<semaphore_mem>>
    tpu.wait_indirect_dma semaphore(%dma_wait3A_267 : memref<!tpu.dma_semaphore, #tpu.memory_space<semaphore_mem>>) src(%dma_wait3A_259 : memref<32x1152xf32, #tpu.memory_space<vmem>>) dst(%dma_wait3A_265 : memref<6144x1152xf32, #tpu.memory_space<hbm>>)
    return
  }
}

#map = affine_map<(d0, d1) -> (0, 0)>
#map1 = affine_map<(d0, d1) -> (0)>
module attributes {stable_mosaic.version = 14 : i64} {
  func.func @_unstage_body(%arg0: i32, %arg1: i32, %arg2: memref<6144x1024xf32, #tpu.memory_space<hbm>>, %arg3: memref<5120xi32, #tpu.memory_space<hbm>>, %arg4: memref<4096x1024xf32, #tpu.memory_space<hbm>>, %arg5: memref<128xi32, #tpu.memory_space<vmem>>, %arg6: memref<2x32x1024xf32, #tpu.memory_space<vmem>>, %arg7: memref<2x!tpu.dma_semaphore, #tpu.memory_space<semaphore_mem>>, %arg8: memref<2x!tpu.dma_semaphore, #tpu.memory_space<semaphore_mem>>) attributes {dimension_semantics = [#tpu.dimension_semantics<core_parallel>, #tpu.dimension_semantics<subcore_parallel>], iteration_bounds = array<i64: 2, 16>, scalar_prefetch = 0 : i64, scratch_operands = 4 : i64, tpu.core_type = #tpu.core_type<sc_vector_subcore>, window_params = [{transform_indices = #map}, {transform_indices = #map1}, {transform_indices = #map}]} {
    %mul3A = arith.constant 2 : i32
    %mul3A_0 = arith.muli %arg1, %mul3A : i32
    %add3A = arith.addi %mul3A_0, %arg0 : i32
    %mul3A_1 = arith.constant 128 : i32
    %mul3A_2 = arith.muli %add3A, %mul3A_1 : i32
    "tpu.region"() ({
      %run_scoped3A = tpu.sem_alloc : memref<!tpu.dma_semaphore, #tpu.memory_space<semaphore_mem>>
      %dma_start3A_241 = tpu.memref_slice %arg3[%mul3A_2] : memref<5120xi32, #tpu.memory_space<hbm>> -> memref<128xi32, #tpu.memory_space<hbm>>
      %dma_start3A_242 = tpu.memref_slice %arg3[%mul3A_2] : memref<5120xi32, #tpu.memory_space<hbm>> -> memref<128xi32, #tpu.memory_space<hbm>>
      tpu.enqueue_dma source(%dma_start3A_242 : memref<128xi32, #tpu.memory_space<hbm>>) target(%arg5 : memref<128xi32, #tpu.memory_space<vmem>>) target_semaphore(%run_scoped3A : memref<!tpu.dma_semaphore, #tpu.memory_space<semaphore_mem>>)
      %dma_wait3A_243 = tpu.memref_slice %arg3[%mul3A_2] : memref<5120xi32, #tpu.memory_space<hbm>> -> memref<128xi32, #tpu.memory_space<hbm>>
      %dma_wait3A_244 = tpu.memref_slice %arg3[%mul3A_2] : memref<5120xi32, #tpu.memory_space<hbm>> -> memref<128xi32, #tpu.memory_space<hbm>>
      tpu.wait_dma2 semaphore(%run_scoped3A : memref<!tpu.dma_semaphore, #tpu.memory_space<semaphore_mem>>) src(%dma_wait3A_244 : memref<128xi32, #tpu.memory_space<hbm>>) dst(%arg5 : memref<128xi32, #tpu.memory_space<vmem>>)
      tpu.yield
    }) : () -> ()
    %dma_start3A = arith.constant 0 : i32
    %dma_start3A_3 = arith.constant 0 : i32
    %dma_start3A_4 = arith.constant 0 : i32
    %dma_start3A_5 = arith.constant 0 : i32
    %dma_start3A_6 = tpu.memref_slice %arg6[%dma_start3A, %dma_start3A_4, %dma_start3A_5] : memref<2x32x1024xf32, #tpu.memory_space<vmem>> -> memref<1x32x1024xf32, #tpu.memory_space<vmem>>
    %dma_start3A_7 = tpu.memref_squeeze %dma_start3A_6 : memref<1x32x1024xf32, #tpu.memory_space<vmem>> -> memref<32x1024xf32, #tpu.memory_space<vmem>>
    %dma_start3A_8 = arith.constant 0 : i32
    %dma_start3A_9 = tpu.memref_slice %arg5[%dma_start3A_8] : memref<128xi32, #tpu.memory_space<vmem>> -> memref<32xi32, #tpu.memory_space<vmem>>
    %dma_start3A_10 = arith.constant 0 : i32
    %dma_start3A_11 = arith.constant 0 : i32
    %dma_start3A_12 = tpu.memref_slice %arg2[%dma_start3A_10, %dma_start3A_11] : memref<6144x1024xf32, #tpu.memory_space<hbm>> -> memref<6144x1024xf32, #tpu.memory_space<hbm>>
    %dma_start3A_13 = tpu.memref_slice %arg7[%dma_start3A_3] : memref<2x!tpu.dma_semaphore, #tpu.memory_space<semaphore_mem>> -> memref<1x!tpu.dma_semaphore, #tpu.memory_space<semaphore_mem>>
    %dma_start3A_14 = tpu.memref_squeeze %dma_start3A_13 : memref<1x!tpu.dma_semaphore, #tpu.memory_space<semaphore_mem>> -> memref<!tpu.dma_semaphore, #tpu.memory_space<semaphore_mem>>
    tpu.enqueue_indirect_dma source(%dma_start3A_12 : memref<6144x1024xf32, #tpu.memory_space<hbm>>) target(%dma_start3A_7 : memref<32x1024xf32, #tpu.memory_space<vmem>>) offsets(%dma_start3A_9 : memref<32xi32, #tpu.memory_space<vmem>>) semaphore(%dma_start3A_14 : memref<!tpu.dma_semaphore, #tpu.memory_space<semaphore_mem>>)
    %dma_start3A_15 = arith.constant 1 : i32
    %dma_start3A_16 = arith.constant 1 : i32
    %dma_start3A_17 = arith.constant 0 : i32
    %dma_start3A_18 = arith.constant 0 : i32
    %dma_start3A_19 = tpu.memref_slice %arg6[%dma_start3A_15, %dma_start3A_17, %dma_start3A_18] : memref<2x32x1024xf32, #tpu.memory_space<vmem>> -> memref<1x32x1024xf32, #tpu.memory_space<vmem>>
    %dma_start3A_20 = tpu.memref_squeeze %dma_start3A_19 : memref<1x32x1024xf32, #tpu.memory_space<vmem>> -> memref<32x1024xf32, #tpu.memory_space<vmem>>
    %dma_start3A_21 = arith.constant 32 : i32
    %dma_start3A_22 = tpu.memref_slice %arg5[%dma_start3A_21] : memref<128xi32, #tpu.memory_space<vmem>> -> memref<32xi32, #tpu.memory_space<vmem>>
    %dma_start3A_23 = arith.constant 0 : i32
    %dma_start3A_24 = arith.constant 0 : i32
    %dma_start3A_25 = tpu.memref_slice %arg2[%dma_start3A_23, %dma_start3A_24] : memref<6144x1024xf32, #tpu.memory_space<hbm>> -> memref<6144x1024xf32, #tpu.memory_space<hbm>>
    %dma_start3A_26 = tpu.memref_slice %arg7[%dma_start3A_16] : memref<2x!tpu.dma_semaphore, #tpu.memory_space<semaphore_mem>> -> memref<1x!tpu.dma_semaphore, #tpu.memory_space<semaphore_mem>>
    %dma_start3A_27 = tpu.memref_squeeze %dma_start3A_26 : memref<1x!tpu.dma_semaphore, #tpu.memory_space<semaphore_mem>> -> memref<!tpu.dma_semaphore, #tpu.memory_space<semaphore_mem>>
    tpu.enqueue_indirect_dma source(%dma_start3A_25 : memref<6144x1024xf32, #tpu.memory_space<hbm>>) target(%dma_start3A_20 : memref<32x1024xf32, #tpu.memory_space<vmem>>) offsets(%dma_start3A_22 : memref<32xi32, #tpu.memory_space<vmem>>) semaphore(%dma_start3A_27 : memref<!tpu.dma_semaphore, #tpu.memory_space<semaphore_mem>>)
    %dma_wait3A = arith.constant 0 : i32
    %dma_wait3A_28 = arith.constant 0 : i32
    %dma_wait3A_29 = arith.constant 0 : i32
    %dma_wait3A_30 = arith.constant 0 : i32
    %dma_wait3A_31 = tpu.memref_slice %arg6[%dma_wait3A, %dma_wait3A_29, %dma_wait3A_30] : memref<2x32x1024xf32, #tpu.memory_space<vmem>> -> memref<1x32x1024xf32, #tpu.memory_space<vmem>>
    %dma_wait3A_32 = tpu.memref_squeeze %dma_wait3A_31 : memref<1x32x1024xf32, #tpu.memory_space<vmem>> -> memref<32x1024xf32, #tpu.memory_space<vmem>>
    %dma_wait3A_33 = arith.constant 0 : i32
    %dma_wait3A_34 = tpu.memref_slice %arg5[%dma_wait3A_33] : memref<128xi32, #tpu.memory_space<vmem>> -> memref<32xi32, #tpu.memory_space<vmem>>
    %dma_wait3A_35 = arith.constant 0 : i32
    %dma_wait3A_36 = arith.constant 0 : i32
    %dma_wait3A_37 = tpu.memref_slice %arg2[%dma_wait3A_35, %dma_wait3A_36] : memref<6144x1024xf32, #tpu.memory_space<hbm>> -> memref<6144x1024xf32, #tpu.memory_space<hbm>>
    %dma_wait3A_38 = tpu.memref_slice %arg7[%dma_wait3A_28] : memref<2x!tpu.dma_semaphore, #tpu.memory_space<semaphore_mem>> -> memref<1x!tpu.dma_semaphore, #tpu.memory_space<semaphore_mem>>
    %dma_wait3A_39 = tpu.memref_squeeze %dma_wait3A_38 : memref<1x!tpu.dma_semaphore, #tpu.memory_space<semaphore_mem>> -> memref<!tpu.dma_semaphore, #tpu.memory_space<semaphore_mem>>
    tpu.wait_indirect_dma semaphore(%dma_wait3A_39 : memref<!tpu.dma_semaphore, #tpu.memory_space<semaphore_mem>>) src(%dma_wait3A_37 : memref<6144x1024xf32, #tpu.memory_space<hbm>>) dst(%dma_wait3A_32 : memref<32x1024xf32, #tpu.memory_space<vmem>>)
    %add3A_40 = arith.constant 0 : i32
    %add3A_41 = arith.addi %mul3A_2, %add3A_40 : i32
    %dma_start3A_42 = arith.constant 0 : i32
    %dma_start3A_43 = arith.constant 0 : i32
    %dma_start3A_44 = arith.constant 0 : i32
    %dma_start3A_45 = arith.constant 0 : i32
    %dma_start3A_46 = tpu.memref_slice %arg6[%dma_start3A_42, %dma_start3A_44, %dma_start3A_45] : memref<2x32x1024xf32, #tpu.memory_space<vmem>> -> memref<1x32x1024xf32, #tpu.memory_space<vmem>>
    %dma_start3A_47 = tpu.memref_squeeze %dma_start3A_46 : memref<1x32x1024xf32, #tpu.memory_space<vmem>> -> memref<32x1024xf32, #tpu.memory_space<vmem>>
    %dma_start3A_48 = arith.constant 0 : i32
    %dma_start3A_49 = tpu.memref_slice %arg4[%add3A_41, %dma_start3A_48] : memref<4096x1024xf32, #tpu.memory_space<hbm>> -> memref<32x1024xf32, #tpu.memory_space<hbm>>
    %dma_start3A_50 = tpu.memref_slice %arg8[%dma_start3A_43] : memref<2x!tpu.dma_semaphore, #tpu.memory_space<semaphore_mem>> -> memref<1x!tpu.dma_semaphore, #tpu.memory_space<semaphore_mem>>
    %dma_start3A_51 = tpu.memref_squeeze %dma_start3A_50 : memref<1x!tpu.dma_semaphore, #tpu.memory_space<semaphore_mem>> -> memref<!tpu.dma_semaphore, #tpu.memory_space<semaphore_mem>>
    %dma_start3A_52 = arith.constant 0 : i32
    %dma_start3A_53 = tpu.memref_slice %arg4[%add3A_41, %dma_start3A_52] : memref<4096x1024xf32, #tpu.memory_space<hbm>> -> memref<32x1024xf32, #tpu.memory_space<hbm>>
    %dma_start3A_54 = arith.constant 0 : i32
    %dma_start3A_55 = arith.constant 0 : i32
    %dma_start3A_56 = tpu.memref_slice %arg6[%dma_start3A_42, %dma_start3A_54, %dma_start3A_55] : memref<2x32x1024xf32, #tpu.memory_space<vmem>> -> memref<1x32x1024xf32, #tpu.memory_space<vmem>>
    %dma_start3A_57 = tpu.memref_squeeze %dma_start3A_56 : memref<1x32x1024xf32, #tpu.memory_space<vmem>> -> memref<32x1024xf32, #tpu.memory_space<vmem>>
    tpu.enqueue_dma source(%dma_start3A_57 : memref<32x1024xf32, #tpu.memory_space<vmem>>) target(%dma_start3A_53 : memref<32x1024xf32, #tpu.memory_space<hbm>>) target_semaphore(%dma_start3A_51 : memref<!tpu.dma_semaphore, #tpu.memory_space<semaphore_mem>>)
    %dma_wait3A_58 = arith.constant 0 : i32
    %dma_wait3A_59 = arith.constant 0 : i32
    %dma_wait3A_60 = arith.constant 0 : i32
    %dma_wait3A_61 = arith.constant 0 : i32
    %dma_wait3A_62 = tpu.memref_slice %arg6[%dma_wait3A_58, %dma_wait3A_60, %dma_wait3A_61] : memref<2x32x1024xf32, #tpu.memory_space<vmem>> -> memref<1x32x1024xf32, #tpu.memory_space<vmem>>
    %dma_wait3A_63 = tpu.memref_squeeze %dma_wait3A_62 : memref<1x32x1024xf32, #tpu.memory_space<vmem>> -> memref<32x1024xf32, #tpu.memory_space<vmem>>
    %dma_wait3A_64 = arith.constant 0 : i32
    %dma_wait3A_65 = tpu.memref_slice %arg4[%add3A_41, %dma_wait3A_64] : memref<4096x1024xf32, #tpu.memory_space<hbm>> -> memref<32x1024xf32, #tpu.memory_space<hbm>>
    %dma_wait3A_66 = tpu.memref_slice %arg8[%dma_wait3A_59] : memref<2x!tpu.dma_semaphore, #tpu.memory_space<semaphore_mem>> -> memref<1x!tpu.dma_semaphore, #tpu.memory_space<semaphore_mem>>
    %dma_wait3A_67 = tpu.memref_squeeze %dma_wait3A_66 : memref<1x!tpu.dma_semaphore, #tpu.memory_space<semaphore_mem>> -> memref<!tpu.dma_semaphore, #tpu.memory_space<semaphore_mem>>
    %dma_wait3A_68 = arith.constant 0 : i32
    %dma_wait3A_69 = tpu.memref_slice %arg4[%add3A_41, %dma_wait3A_68] : memref<4096x1024xf32, #tpu.memory_space<hbm>> -> memref<32x1024xf32, #tpu.memory_space<hbm>>
    %dma_wait3A_70 = arith.constant 0 : i32
    %dma_wait3A_71 = arith.constant 0 : i32
    %dma_wait3A_72 = tpu.memref_slice %arg6[%dma_wait3A_58, %dma_wait3A_70, %dma_wait3A_71] : memref<2x32x1024xf32, #tpu.memory_space<vmem>> -> memref<1x32x1024xf32, #tpu.memory_space<vmem>>
    %dma_wait3A_73 = tpu.memref_squeeze %dma_wait3A_72 : memref<1x32x1024xf32, #tpu.memory_space<vmem>> -> memref<32x1024xf32, #tpu.memory_space<vmem>>
    tpu.wait_dma2 semaphore(%dma_wait3A_67 : memref<!tpu.dma_semaphore, #tpu.memory_space<semaphore_mem>>) src(%dma_wait3A_73 : memref<32x1024xf32, #tpu.memory_space<vmem>>) dst(%dma_wait3A_69 : memref<32x1024xf32, #tpu.memory_space<hbm>>)
    %dma_start3A_74 = arith.constant 0 : i32
    %dma_start3A_75 = arith.constant 0 : i32
    %dma_start3A_76 = arith.constant 0 : i32
    %dma_start3A_77 = arith.constant 0 : i32
    %dma_start3A_78 = tpu.memref_slice %arg6[%dma_start3A_74, %dma_start3A_76, %dma_start3A_77] : memref<2x32x1024xf32, #tpu.memory_space<vmem>> -> memref<1x32x1024xf32, #tpu.memory_space<vmem>>
    %dma_start3A_79 = tpu.memref_squeeze %dma_start3A_78 : memref<1x32x1024xf32, #tpu.memory_space<vmem>> -> memref<32x1024xf32, #tpu.memory_space<vmem>>
    %dma_start3A_80 = arith.constant 64 : i32
    %dma_start3A_81 = tpu.memref_slice %arg5[%dma_start3A_80] : memref<128xi32, #tpu.memory_space<vmem>> -> memref<32xi32, #tpu.memory_space<vmem>>
    %dma_start3A_82 = arith.constant 0 : i32
    %dma_start3A_83 = arith.constant 0 : i32
    %dma_start3A_84 = tpu.memref_slice %arg2[%dma_start3A_82, %dma_start3A_83] : memref<6144x1024xf32, #tpu.memory_space<hbm>> -> memref<6144x1024xf32, #tpu.memory_space<hbm>>
    %dma_start3A_85 = tpu.memref_slice %arg7[%dma_start3A_75] : memref<2x!tpu.dma_semaphore, #tpu.memory_space<semaphore_mem>> -> memref<1x!tpu.dma_semaphore, #tpu.memory_space<semaphore_mem>>
    %dma_start3A_86 = tpu.memref_squeeze %dma_start3A_85 : memref<1x!tpu.dma_semaphore, #tpu.memory_space<semaphore_mem>> -> memref<!tpu.dma_semaphore, #tpu.memory_space<semaphore_mem>>
    tpu.enqueue_indirect_dma source(%dma_start3A_84 : memref<6144x1024xf32, #tpu.memory_space<hbm>>) target(%dma_start3A_79 : memref<32x1024xf32, #tpu.memory_space<vmem>>) offsets(%dma_start3A_81 : memref<32xi32, #tpu.memory_space<vmem>>) semaphore(%dma_start3A_86 : memref<!tpu.dma_semaphore, #tpu.memory_space<semaphore_mem>>)
    %dma_wait3A_87 = arith.constant 1 : i32
    %dma_wait3A_88 = arith.constant 1 : i32
    %dma_wait3A_89 = arith.constant 0 : i32
    %dma_wait3A_90 = arith.constant 0 : i32
    %dma_wait3A_91 = tpu.memref_slice %arg6[%dma_wait3A_87, %dma_wait3A_89, %dma_wait3A_90] : memref<2x32x1024xf32, #tpu.memory_space<vmem>> -> memref<1x32x1024xf32, #tpu.memory_space<vmem>>
    %dma_wait3A_92 = tpu.memref_squeeze %dma_wait3A_91 : memref<1x32x1024xf32, #tpu.memory_space<vmem>> -> memref<32x1024xf32, #tpu.memory_space<vmem>>
    %dma_wait3A_93 = arith.constant 32 : i32
    %dma_wait3A_94 = tpu.memref_slice %arg5[%dma_wait3A_93] : memref<128xi32, #tpu.memory_space<vmem>> -> memref<32xi32, #tpu.memory_space<vmem>>
    %dma_wait3A_95 = arith.constant 0 : i32
    %dma_wait3A_96 = arith.constant 0 : i32
    %dma_wait3A_97 = tpu.memref_slice %arg2[%dma_wait3A_95, %dma_wait3A_96] : memref<6144x1024xf32, #tpu.memory_space<hbm>> -> memref<6144x1024xf32, #tpu.memory_space<hbm>>
    %dma_wait3A_98 = tpu.memref_slice %arg7[%dma_wait3A_88] : memref<2x!tpu.dma_semaphore, #tpu.memory_space<semaphore_mem>> -> memref<1x!tpu.dma_semaphore, #tpu.memory_space<semaphore_mem>>
    %dma_wait3A_99 = tpu.memref_squeeze %dma_wait3A_98 : memref<1x!tpu.dma_semaphore, #tpu.memory_space<semaphore_mem>> -> memref<!tpu.dma_semaphore, #tpu.memory_space<semaphore_mem>>
    tpu.wait_indirect_dma semaphore(%dma_wait3A_99 : memref<!tpu.dma_semaphore, #tpu.memory_space<semaphore_mem>>) src(%dma_wait3A_97 : memref<6144x1024xf32, #tpu.memory_space<hbm>>) dst(%dma_wait3A_92 : memref<32x1024xf32, #tpu.memory_space<vmem>>)
    %add3A_100 = arith.constant 32 : i32
    %add3A_101 = arith.addi %mul3A_2, %add3A_100 : i32
    %dma_start3A_102 = arith.constant 1 : i32
    %dma_start3A_103 = arith.constant 1 : i32
    %dma_start3A_104 = arith.constant 0 : i32
    %dma_start3A_105 = arith.constant 0 : i32
    %dma_start3A_106 = tpu.memref_slice %arg6[%dma_start3A_102, %dma_start3A_104, %dma_start3A_105] : memref<2x32x1024xf32, #tpu.memory_space<vmem>> -> memref<1x32x1024xf32, #tpu.memory_space<vmem>>
    %dma_start3A_107 = tpu.memref_squeeze %dma_start3A_106 : memref<1x32x1024xf32, #tpu.memory_space<vmem>> -> memref<32x1024xf32, #tpu.memory_space<vmem>>
    %dma_start3A_108 = arith.constant 0 : i32
    %dma_start3A_109 = tpu.memref_slice %arg4[%add3A_101, %dma_start3A_108] : memref<4096x1024xf32, #tpu.memory_space<hbm>> -> memref<32x1024xf32, #tpu.memory_space<hbm>>
    %dma_start3A_110 = tpu.memref_slice %arg8[%dma_start3A_103] : memref<2x!tpu.dma_semaphore, #tpu.memory_space<semaphore_mem>> -> memref<1x!tpu.dma_semaphore, #tpu.memory_space<semaphore_mem>>
    %dma_start3A_111 = tpu.memref_squeeze %dma_start3A_110 : memref<1x!tpu.dma_semaphore, #tpu.memory_space<semaphore_mem>> -> memref<!tpu.dma_semaphore, #tpu.memory_space<semaphore_mem>>
    %dma_start3A_112 = arith.constant 0 : i32
    %dma_start3A_113 = tpu.memref_slice %arg4[%add3A_101, %dma_start3A_112] : memref<4096x1024xf32, #tpu.memory_space<hbm>> -> memref<32x1024xf32, #tpu.memory_space<hbm>>
    %dma_start3A_114 = arith.constant 0 : i32
    %dma_start3A_115 = arith.constant 0 : i32
    %dma_start3A_116 = tpu.memref_slice %arg6[%dma_start3A_102, %dma_start3A_114, %dma_start3A_115] : memref<2x32x1024xf32, #tpu.memory_space<vmem>> -> memref<1x32x1024xf32, #tpu.memory_space<vmem>>
    %dma_start3A_117 = tpu.memref_squeeze %dma_start3A_116 : memref<1x32x1024xf32, #tpu.memory_space<vmem>> -> memref<32x1024xf32, #tpu.memory_space<vmem>>
    tpu.enqueue_dma source(%dma_start3A_117 : memref<32x1024xf32, #tpu.memory_space<vmem>>) target(%dma_start3A_113 : memref<32x1024xf32, #tpu.memory_space<hbm>>) target_semaphore(%dma_start3A_111 : memref<!tpu.dma_semaphore, #tpu.memory_space<semaphore_mem>>)
    %dma_wait3A_118 = arith.constant 1 : i32
    %dma_wait3A_119 = arith.constant 1 : i32
    %dma_wait3A_120 = arith.constant 0 : i32
    %dma_wait3A_121 = arith.constant 0 : i32
    %dma_wait3A_122 = tpu.memref_slice %arg6[%dma_wait3A_118, %dma_wait3A_120, %dma_wait3A_121] : memref<2x32x1024xf32, #tpu.memory_space<vmem>> -> memref<1x32x1024xf32, #tpu.memory_space<vmem>>
    %dma_wait3A_123 = tpu.memref_squeeze %dma_wait3A_122 : memref<1x32x1024xf32, #tpu.memory_space<vmem>> -> memref<32x1024xf32, #tpu.memory_space<vmem>>
    %dma_wait3A_124 = arith.constant 0 : i32
    %dma_wait3A_125 = tpu.memref_slice %arg4[%add3A_101, %dma_wait3A_124] : memref<4096x1024xf32, #tpu.memory_space<hbm>> -> memref<32x1024xf32, #tpu.memory_space<hbm>>
    %dma_wait3A_126 = tpu.memref_slice %arg8[%dma_wait3A_119] : memref<2x!tpu.dma_semaphore, #tpu.memory_space<semaphore_mem>> -> memref<1x!tpu.dma_semaphore, #tpu.memory_space<semaphore_mem>>
    %dma_wait3A_127 = tpu.memref_squeeze %dma_wait3A_126 : memref<1x!tpu.dma_semaphore, #tpu.memory_space<semaphore_mem>> -> memref<!tpu.dma_semaphore, #tpu.memory_space<semaphore_mem>>
    %dma_wait3A_128 = arith.constant 0 : i32
    %dma_wait3A_129 = tpu.memref_slice %arg4[%add3A_101, %dma_wait3A_128] : memref<4096x1024xf32, #tpu.memory_space<hbm>> -> memref<32x1024xf32, #tpu.memory_space<hbm>>
    %dma_wait3A_130 = arith.constant 0 : i32
    %dma_wait3A_131 = arith.constant 0 : i32
    %dma_wait3A_132 = tpu.memref_slice %arg6[%dma_wait3A_118, %dma_wait3A_130, %dma_wait3A_131] : memref<2x32x1024xf32, #tpu.memory_space<vmem>> -> memref<1x32x1024xf32, #tpu.memory_space<vmem>>
    %dma_wait3A_133 = tpu.memref_squeeze %dma_wait3A_132 : memref<1x32x1024xf32, #tpu.memory_space<vmem>> -> memref<32x1024xf32, #tpu.memory_space<vmem>>
    tpu.wait_dma2 semaphore(%dma_wait3A_127 : memref<!tpu.dma_semaphore, #tpu.memory_space<semaphore_mem>>) src(%dma_wait3A_133 : memref<32x1024xf32, #tpu.memory_space<vmem>>) dst(%dma_wait3A_129 : memref<32x1024xf32, #tpu.memory_space<hbm>>)
    %dma_start3A_134 = arith.constant 1 : i32
    %dma_start3A_135 = arith.constant 1 : i32
    %dma_start3A_136 = arith.constant 0 : i32
    %dma_start3A_137 = arith.constant 0 : i32
    %dma_start3A_138 = tpu.memref_slice %arg6[%dma_start3A_134, %dma_start3A_136, %dma_start3A_137] : memref<2x32x1024xf32, #tpu.memory_space<vmem>> -> memref<1x32x1024xf32, #tpu.memory_space<vmem>>
    %dma_start3A_139 = tpu.memref_squeeze %dma_start3A_138 : memref<1x32x1024xf32, #tpu.memory_space<vmem>> -> memref<32x1024xf32, #tpu.memory_space<vmem>>
    %dma_start3A_140 = arith.constant 96 : i32
    %dma_start3A_141 = tpu.memref_slice %arg5[%dma_start3A_140] : memref<128xi32, #tpu.memory_space<vmem>> -> memref<32xi32, #tpu.memory_space<vmem>>
    %dma_start3A_142 = arith.constant 0 : i32
    %dma_start3A_143 = arith.constant 0 : i32
    %dma_start3A_144 = tpu.memref_slice %arg2[%dma_start3A_142, %dma_start3A_143] : memref<6144x1024xf32, #tpu.memory_space<hbm>> -> memref<6144x1024xf32, #tpu.memory_space<hbm>>
    %dma_start3A_145 = tpu.memref_slice %arg7[%dma_start3A_135] : memref<2x!tpu.dma_semaphore, #tpu.memory_space<semaphore_mem>> -> memref<1x!tpu.dma_semaphore, #tpu.memory_space<semaphore_mem>>
    %dma_start3A_146 = tpu.memref_squeeze %dma_start3A_145 : memref<1x!tpu.dma_semaphore, #tpu.memory_space<semaphore_mem>> -> memref<!tpu.dma_semaphore, #tpu.memory_space<semaphore_mem>>
    tpu.enqueue_indirect_dma source(%dma_start3A_144 : memref<6144x1024xf32, #tpu.memory_space<hbm>>) target(%dma_start3A_139 : memref<32x1024xf32, #tpu.memory_space<vmem>>) offsets(%dma_start3A_141 : memref<32xi32, #tpu.memory_space<vmem>>) semaphore(%dma_start3A_146 : memref<!tpu.dma_semaphore, #tpu.memory_space<semaphore_mem>>)
    %dma_wait3A_147 = arith.constant 0 : i32
    %dma_wait3A_148 = arith.constant 0 : i32
    %dma_wait3A_149 = arith.constant 0 : i32
    %dma_wait3A_150 = arith.constant 0 : i32
    %dma_wait3A_151 = tpu.memref_slice %arg6[%dma_wait3A_147, %dma_wait3A_149, %dma_wait3A_150] : memref<2x32x1024xf32, #tpu.memory_space<vmem>> -> memref<1x32x1024xf32, #tpu.memory_space<vmem>>
    %dma_wait3A_152 = tpu.memref_squeeze %dma_wait3A_151 : memref<1x32x1024xf32, #tpu.memory_space<vmem>> -> memref<32x1024xf32, #tpu.memory_space<vmem>>
    %dma_wait3A_153 = arith.constant 64 : i32
    %dma_wait3A_154 = tpu.memref_slice %arg5[%dma_wait3A_153] : memref<128xi32, #tpu.memory_space<vmem>> -> memref<32xi32, #tpu.memory_space<vmem>>
    %dma_wait3A_155 = arith.constant 0 : i32
    %dma_wait3A_156 = arith.constant 0 : i32
    %dma_wait3A_157 = tpu.memref_slice %arg2[%dma_wait3A_155, %dma_wait3A_156] : memref<6144x1024xf32, #tpu.memory_space<hbm>> -> memref<6144x1024xf32, #tpu.memory_space<hbm>>
    %dma_wait3A_158 = tpu.memref_slice %arg7[%dma_wait3A_148] : memref<2x!tpu.dma_semaphore, #tpu.memory_space<semaphore_mem>> -> memref<1x!tpu.dma_semaphore, #tpu.memory_space<semaphore_mem>>
    %dma_wait3A_159 = tpu.memref_squeeze %dma_wait3A_158 : memref<1x!tpu.dma_semaphore, #tpu.memory_space<semaphore_mem>> -> memref<!tpu.dma_semaphore, #tpu.memory_space<semaphore_mem>>
    tpu.wait_indirect_dma semaphore(%dma_wait3A_159 : memref<!tpu.dma_semaphore, #tpu.memory_space<semaphore_mem>>) src(%dma_wait3A_157 : memref<6144x1024xf32, #tpu.memory_space<hbm>>) dst(%dma_wait3A_152 : memref<32x1024xf32, #tpu.memory_space<vmem>>)
    %add3A_160 = arith.constant 64 : i32
    %add3A_161 = arith.addi %mul3A_2, %add3A_160 : i32
    %dma_start3A_162 = arith.constant 0 : i32
    %dma_start3A_163 = arith.constant 0 : i32
    %dma_start3A_164 = arith.constant 0 : i32
    %dma_start3A_165 = arith.constant 0 : i32
    %dma_start3A_166 = tpu.memref_slice %arg6[%dma_start3A_162, %dma_start3A_164, %dma_start3A_165] : memref<2x32x1024xf32, #tpu.memory_space<vmem>> -> memref<1x32x1024xf32, #tpu.memory_space<vmem>>
    %dma_start3A_167 = tpu.memref_squeeze %dma_start3A_166 : memref<1x32x1024xf32, #tpu.memory_space<vmem>> -> memref<32x1024xf32, #tpu.memory_space<vmem>>
    %dma_start3A_168 = arith.constant 0 : i32
    %dma_start3A_169 = tpu.memref_slice %arg4[%add3A_161, %dma_start3A_168] : memref<4096x1024xf32, #tpu.memory_space<hbm>> -> memref<32x1024xf32, #tpu.memory_space<hbm>>
    %dma_start3A_170 = tpu.memref_slice %arg8[%dma_start3A_163] : memref<2x!tpu.dma_semaphore, #tpu.memory_space<semaphore_mem>> -> memref<1x!tpu.dma_semaphore, #tpu.memory_space<semaphore_mem>>
    %dma_start3A_171 = tpu.memref_squeeze %dma_start3A_170 : memref<1x!tpu.dma_semaphore, #tpu.memory_space<semaphore_mem>> -> memref<!tpu.dma_semaphore, #tpu.memory_space<semaphore_mem>>
    %dma_start3A_172 = arith.constant 0 : i32
    %dma_start3A_173 = tpu.memref_slice %arg4[%add3A_161, %dma_start3A_172] : memref<4096x1024xf32, #tpu.memory_space<hbm>> -> memref<32x1024xf32, #tpu.memory_space<hbm>>
    %dma_start3A_174 = arith.constant 0 : i32
    %dma_start3A_175 = arith.constant 0 : i32
    %dma_start3A_176 = tpu.memref_slice %arg6[%dma_start3A_162, %dma_start3A_174, %dma_start3A_175] : memref<2x32x1024xf32, #tpu.memory_space<vmem>> -> memref<1x32x1024xf32, #tpu.memory_space<vmem>>
    %dma_start3A_177 = tpu.memref_squeeze %dma_start3A_176 : memref<1x32x1024xf32, #tpu.memory_space<vmem>> -> memref<32x1024xf32, #tpu.memory_space<vmem>>
    tpu.enqueue_dma source(%dma_start3A_177 : memref<32x1024xf32, #tpu.memory_space<vmem>>) target(%dma_start3A_173 : memref<32x1024xf32, #tpu.memory_space<hbm>>) target_semaphore(%dma_start3A_171 : memref<!tpu.dma_semaphore, #tpu.memory_space<semaphore_mem>>)
    %dma_wait3A_178 = arith.constant 0 : i32
    %dma_wait3A_179 = arith.constant 0 : i32
    %dma_wait3A_180 = arith.constant 0 : i32
    %dma_wait3A_181 = arith.constant 0 : i32
    %dma_wait3A_182 = tpu.memref_slice %arg6[%dma_wait3A_178, %dma_wait3A_180, %dma_wait3A_181] : memref<2x32x1024xf32, #tpu.memory_space<vmem>> -> memref<1x32x1024xf32, #tpu.memory_space<vmem>>
    %dma_wait3A_183 = tpu.memref_squeeze %dma_wait3A_182 : memref<1x32x1024xf32, #tpu.memory_space<vmem>> -> memref<32x1024xf32, #tpu.memory_space<vmem>>
    %dma_wait3A_184 = arith.constant 0 : i32
    %dma_wait3A_185 = tpu.memref_slice %arg4[%add3A_161, %dma_wait3A_184] : memref<4096x1024xf32, #tpu.memory_space<hbm>> -> memref<32x1024xf32, #tpu.memory_space<hbm>>
    %dma_wait3A_186 = tpu.memref_slice %arg8[%dma_wait3A_179] : memref<2x!tpu.dma_semaphore, #tpu.memory_space<semaphore_mem>> -> memref<1x!tpu.dma_semaphore, #tpu.memory_space<semaphore_mem>>
    %dma_wait3A_187 = tpu.memref_squeeze %dma_wait3A_186 : memref<1x!tpu.dma_semaphore, #tpu.memory_space<semaphore_mem>> -> memref<!tpu.dma_semaphore, #tpu.memory_space<semaphore_mem>>
    %dma_wait3A_188 = arith.constant 0 : i32
    %dma_wait3A_189 = tpu.memref_slice %arg4[%add3A_161, %dma_wait3A_188] : memref<4096x1024xf32, #tpu.memory_space<hbm>> -> memref<32x1024xf32, #tpu.memory_space<hbm>>
    %dma_wait3A_190 = arith.constant 0 : i32
    %dma_wait3A_191 = arith.constant 0 : i32
    %dma_wait3A_192 = tpu.memref_slice %arg6[%dma_wait3A_178, %dma_wait3A_190, %dma_wait3A_191] : memref<2x32x1024xf32, #tpu.memory_space<vmem>> -> memref<1x32x1024xf32, #tpu.memory_space<vmem>>
    %dma_wait3A_193 = tpu.memref_squeeze %dma_wait3A_192 : memref<1x32x1024xf32, #tpu.memory_space<vmem>> -> memref<32x1024xf32, #tpu.memory_space<vmem>>
    tpu.wait_dma2 semaphore(%dma_wait3A_187 : memref<!tpu.dma_semaphore, #tpu.memory_space<semaphore_mem>>) src(%dma_wait3A_193 : memref<32x1024xf32, #tpu.memory_space<vmem>>) dst(%dma_wait3A_189 : memref<32x1024xf32, #tpu.memory_space<hbm>>)
    %dma_wait3A_194 = arith.constant 1 : i32
    %dma_wait3A_195 = arith.constant 1 : i32
    %dma_wait3A_196 = arith.constant 0 : i32
    %dma_wait3A_197 = arith.constant 0 : i32
    %dma_wait3A_198 = tpu.memref_slice %arg6[%dma_wait3A_194, %dma_wait3A_196, %dma_wait3A_197] : memref<2x32x1024xf32, #tpu.memory_space<vmem>> -> memref<1x32x1024xf32, #tpu.memory_space<vmem>>
    %dma_wait3A_199 = tpu.memref_squeeze %dma_wait3A_198 : memref<1x32x1024xf32, #tpu.memory_space<vmem>> -> memref<32x1024xf32, #tpu.memory_space<vmem>>
    %dma_wait3A_200 = arith.constant 96 : i32
    %dma_wait3A_201 = tpu.memref_slice %arg5[%dma_wait3A_200] : memref<128xi32, #tpu.memory_space<vmem>> -> memref<32xi32, #tpu.memory_space<vmem>>
    %dma_wait3A_202 = arith.constant 0 : i32
    %dma_wait3A_203 = arith.constant 0 : i32
    %dma_wait3A_204 = tpu.memref_slice %arg2[%dma_wait3A_202, %dma_wait3A_203] : memref<6144x1024xf32, #tpu.memory_space<hbm>> -> memref<6144x1024xf32, #tpu.memory_space<hbm>>
    %dma_wait3A_205 = tpu.memref_slice %arg7[%dma_wait3A_195] : memref<2x!tpu.dma_semaphore, #tpu.memory_space<semaphore_mem>> -> memref<1x!tpu.dma_semaphore, #tpu.memory_space<semaphore_mem>>
    %dma_wait3A_206 = tpu.memref_squeeze %dma_wait3A_205 : memref<1x!tpu.dma_semaphore, #tpu.memory_space<semaphore_mem>> -> memref<!tpu.dma_semaphore, #tpu.memory_space<semaphore_mem>>
    tpu.wait_indirect_dma semaphore(%dma_wait3A_206 : memref<!tpu.dma_semaphore, #tpu.memory_space<semaphore_mem>>) src(%dma_wait3A_204 : memref<6144x1024xf32, #tpu.memory_space<hbm>>) dst(%dma_wait3A_199 : memref<32x1024xf32, #tpu.memory_space<vmem>>)
    %add3A_207 = arith.constant 96 : i32
    %add3A_208 = arith.addi %mul3A_2, %add3A_207 : i32
    %dma_start3A_209 = arith.constant 1 : i32
    %dma_start3A_210 = arith.constant 1 : i32
    %dma_start3A_211 = arith.constant 0 : i32
    %dma_start3A_212 = arith.constant 0 : i32
    %dma_start3A_213 = tpu.memref_slice %arg6[%dma_start3A_209, %dma_start3A_211, %dma_start3A_212] : memref<2x32x1024xf32, #tpu.memory_space<vmem>> -> memref<1x32x1024xf32, #tpu.memory_space<vmem>>
    %dma_start3A_214 = tpu.memref_squeeze %dma_start3A_213 : memref<1x32x1024xf32, #tpu.memory_space<vmem>> -> memref<32x1024xf32, #tpu.memory_space<vmem>>
    %dma_start3A_215 = arith.constant 0 : i32
    %dma_start3A_216 = tpu.memref_slice %arg4[%add3A_208, %dma_start3A_215] : memref<4096x1024xf32, #tpu.memory_space<hbm>> -> memref<32x1024xf32, #tpu.memory_space<hbm>>
    %dma_start3A_217 = tpu.memref_slice %arg8[%dma_start3A_210] : memref<2x!tpu.dma_semaphore, #tpu.memory_space<semaphore_mem>> -> memref<1x!tpu.dma_semaphore, #tpu.memory_space<semaphore_mem>>
    %dma_start3A_218 = tpu.memref_squeeze %dma_start3A_217 : memref<1x!tpu.dma_semaphore, #tpu.memory_space<semaphore_mem>> -> memref<!tpu.dma_semaphore, #tpu.memory_space<semaphore_mem>>
    %dma_start3A_219 = arith.constant 0 : i32
    %dma_start3A_220 = tpu.memref_slice %arg4[%add3A_208, %dma_start3A_219] : memref<4096x1024xf32, #tpu.memory_space<hbm>> -> memref<32x1024xf32, #tpu.memory_space<hbm>>
    %dma_start3A_221 = arith.constant 0 : i32
    %dma_start3A_222 = arith.constant 0 : i32
    %dma_start3A_223 = tpu.memref_slice %arg6[%dma_start3A_209, %dma_start3A_221, %dma_start3A_222] : memref<2x32x1024xf32, #tpu.memory_space<vmem>> -> memref<1x32x1024xf32, #tpu.memory_space<vmem>>
    %dma_start3A_224 = tpu.memref_squeeze %dma_start3A_223 : memref<1x32x1024xf32, #tpu.memory_space<vmem>> -> memref<32x1024xf32, #tpu.memory_space<vmem>>
    tpu.enqueue_dma source(%dma_start3A_224 : memref<32x1024xf32, #tpu.memory_space<vmem>>) target(%dma_start3A_220 : memref<32x1024xf32, #tpu.memory_space<hbm>>) target_semaphore(%dma_start3A_218 : memref<!tpu.dma_semaphore, #tpu.memory_space<semaphore_mem>>)
    %dma_wait3A_225 = arith.constant 1 : i32
    %dma_wait3A_226 = arith.constant 1 : i32
    %dma_wait3A_227 = arith.constant 0 : i32
    %dma_wait3A_228 = arith.constant 0 : i32
    %dma_wait3A_229 = tpu.memref_slice %arg6[%dma_wait3A_225, %dma_wait3A_227, %dma_wait3A_228] : memref<2x32x1024xf32, #tpu.memory_space<vmem>> -> memref<1x32x1024xf32, #tpu.memory_space<vmem>>
    %dma_wait3A_230 = tpu.memref_squeeze %dma_wait3A_229 : memref<1x32x1024xf32, #tpu.memory_space<vmem>> -> memref<32x1024xf32, #tpu.memory_space<vmem>>
    %dma_wait3A_231 = arith.constant 0 : i32
    %dma_wait3A_232 = tpu.memref_slice %arg4[%add3A_208, %dma_wait3A_231] : memref<4096x1024xf32, #tpu.memory_space<hbm>> -> memref<32x1024xf32, #tpu.memory_space<hbm>>
    %dma_wait3A_233 = tpu.memref_slice %arg8[%dma_wait3A_226] : memref<2x!tpu.dma_semaphore, #tpu.memory_space<semaphore_mem>> -> memref<1x!tpu.dma_semaphore, #tpu.memory_space<semaphore_mem>>
    %dma_wait3A_234 = tpu.memref_squeeze %dma_wait3A_233 : memref<1x!tpu.dma_semaphore, #tpu.memory_space<semaphore_mem>> -> memref<!tpu.dma_semaphore, #tpu.memory_space<semaphore_mem>>
    %dma_wait3A_235 = arith.constant 0 : i32
    %dma_wait3A_236 = tpu.memref_slice %arg4[%add3A_208, %dma_wait3A_235] : memref<4096x1024xf32, #tpu.memory_space<hbm>> -> memref<32x1024xf32, #tpu.memory_space<hbm>>
    %dma_wait3A_237 = arith.constant 0 : i32
    %dma_wait3A_238 = arith.constant 0 : i32
    %dma_wait3A_239 = tpu.memref_slice %arg6[%dma_wait3A_225, %dma_wait3A_237, %dma_wait3A_238] : memref<2x32x1024xf32, #tpu.memory_space<vmem>> -> memref<1x32x1024xf32, #tpu.memory_space<vmem>>
    %dma_wait3A_240 = tpu.memref_squeeze %dma_wait3A_239 : memref<1x32x1024xf32, #tpu.memory_space<vmem>> -> memref<32x1024xf32, #tpu.memory_space<vmem>>
    tpu.wait_dma2 semaphore(%dma_wait3A_234 : memref<!tpu.dma_semaphore, #tpu.memory_space<semaphore_mem>>) src(%dma_wait3A_240 : memref<32x1024xf32, #tpu.memory_space<vmem>>) dst(%dma_wait3A_236 : memref<32x1024xf32, #tpu.memory_space<hbm>>)
    return
  }
}

module attributes {stable_mosaic.version = 14 : i64} {
  func.func @_router_body(%arg0: i32, %arg1: memref<1024x1024xf32, #tpu.memory_space<vmem>>, %arg2: memref<8x1024xf32, #tpu.memory_space<vmem>>, %arg3: memref<1x8xf32, #tpu.memory_space<vmem>>, %arg4: memref<1024xi32, #tpu.memory_space<vmem>>, %arg5: memref<8x128xi32, #tpu.memory_space<vmem>>, %arg6: memref<1024x1152xf32, #tpu.memory_space<vmem>>, %arg7: memref<8x8xf32, #tpu.memory_space<vmem>>, %arg8: memref<1x8xf32, #tpu.memory_space<vmem>>, %arg9: memref<1x8xf32, #tpu.memory_space<vmem>>, %arg10: memref<1024x1024xf32, #tpu.memory_space<vmem>>, %arg11: memref<1024x1024xf32, #tpu.memory_space<vmem>>) attributes {dimension_semantics = [#tpu.dimension_semantics<arbitrary>], iteration_bounds = array<i64: 8>, scalar_prefetch = 0 : i64, scratch_operands = 5 : i64, tpu.core_type = #tpu.core_type<tc>, window_params = [{transform_indices = @transform_0, window_bounds = array<i64: 1024, 1024>}, {pipeline_mode = #tpu.pipeline_mode<synchronous>, transform_indices = @transform_1, window_bounds = array<i64: 8, 1024>}, {pipeline_mode = #tpu.pipeline_mode<synchronous>, transform_indices = @transform_2, window_bounds = array<i64: 1, 8>}, {transform_indices = @transform_3, window_bounds = array<i64: 1024>}, {pipeline_mode = #tpu.pipeline_mode<synchronous>, transform_indices = @transform_4, window_bounds = array<i64: 8, 128>}, {transform_indices = @transform_5, window_bounds = array<i64: 1024, 1152>}]} {
    %iota3A = tpu.iota {dimensions = array<i32: 0>} : vector<8x8xi32>
    %iota3A_0 = tpu.iota {dimensions = array<i32: 1>} : vector<8x8xi32>
    %eq3A = arith.cmpi eq, %iota3A, %iota3A_0 : vector<8x8xi32>
    %convert_element_type3A = arith.extui %eq3A : vector<8x8xi1> to vector<8x8xi32>
    %convert_element_type3A_1 = arith.sitofp %convert_element_type3A : vector<8x8xi32> to vector<8x8xf32>
    %eq3A_2 = arith.constant 0 : i32
    %eq3A_3 = arith.cmpi eq, %arg0, %eq3A_2 : i32
    %convert_element_type3A_4 = arith.extui %eq3A_3 : i1 to i32
    %cond3A = arith.constant 0 : i32
    %cond3A_5 = arith.cmpi ne, %convert_element_type3A_4, %cond3A : i32
    scf.if %cond3A_5 {
      %iota3A_19 = tpu.iota {dimensions = array<i32: 0>} : vector<1024x1024xi32>
      %iota3A_20 = tpu.iota {dimensions = array<i32: 1>} : vector<1024x1024xi32>
      %le3A = arith.cmpi sle, %iota3A_19, %iota3A_20 : vector<1024x1024xi32>
      %convert_element_type3A_21 = arith.extui %le3A : vector<1024x1024xi1> to vector<1024x1024xi32>
      %convert_element_type3A_22 = arith.sitofp %convert_element_type3A_21 : vector<1024x1024xi32> to vector<1024x1024xf32>
      %swap3A = arith.constant 0 : index
      %swap3A_23 = arith.constant 0 : index
      %swap3A_24 = vector.load %arg10[%swap3A, %swap3A_23] : memref<1024x1024xf32, #tpu.memory_space<vmem>>, vector<1024x1024xf32>
      tpu.vector_store %arg10[%swap3A, %swap3A_23], %convert_element_type3A_22 {strides = array<i32>} : memref<1024x1024xf32, #tpu.memory_space<vmem>>, vector<1024x1024xf32>,
      %iota3A_25 = tpu.iota {dimensions = array<i32: 0>} : vector<1024x1024xi32>
      %iota3A_26 = tpu.iota {dimensions = array<i32: 1>} : vector<1024x1024xi32>
      %eq3A_27 = arith.cmpi eq, %iota3A_25, %iota3A_26 : vector<1024x1024xi32>
      %convert_element_type3A_28 = arith.extui %eq3A_27 : vector<1024x1024xi1> to vector<1024x1024xi32>
      %convert_element_type3A_29 = arith.sitofp %convert_element_type3A_28 : vector<1024x1024xi32> to vector<1024x1024xf32>
      %swap3A_30 = arith.constant 0 : index
      %swap3A_31 = arith.constant 0 : index
      %swap3A_32 = vector.load %arg11[%swap3A_30, %swap3A_31] : memref<1024x1024xf32, #tpu.memory_space<vmem>>, vector<1024x1024xf32>
      tpu.vector_store %arg11[%swap3A_30, %swap3A_31], %convert_element_type3A_29 {strides = array<i32>} : memref<1024x1024xf32, #tpu.memory_space<vmem>>, vector<1024x1024xf32>,
    } else {
    }
    %lt3A = arith.constant 4 : i32
    %lt3A_6 = arith.cmpi slt, %arg0, %lt3A : i32
    %convert_element_type3A_7 = arith.extui %lt3A_6 : i1 to i32
    %cond3A_8 = arith.constant 0 : i32
    %cond3A_9 = arith.cmpi ne, %convert_element_type3A_7, %cond3A_8 : i32
    scf.if %cond3A_9 {
      %get3A = arith.constant 0 : index
      %get3A_19 = arith.constant 0 : index
      %get3A_20 = vector.load %arg1[%get3A, %get3A_19] : memref<1024x1024xf32, #tpu.memory_space<vmem>>, vector<1024x1024xf32>
      %get3A_21 = arith.constant 0 : index
      %get3A_22 = arith.constant 0 : index
      %get3A_23 = vector.load %arg2[%get3A_21, %get3A_22] : memref<8x1024xf32, #tpu.memory_space<vmem>>, vector<8x1024xf32>
      %dot_general3A = arith.constant dense<0.000000e+00> : vector<8x1024xf32>
      %dot_general3A_24 = tpu.matmul %get3A_23, %get3A_20, %dot_general3A {dimension_numbers = #tpu.dot_dimension_numbers<[1], [1], [0], [0], [0, 0, 1, 0], [], []>, transpose_lhs_hint = false} : vector<8x1024xf32>, vector<1024x1024xf32>, vector<8x1024xf32> -> vector<8x1024xf32>
      %get3A_25 = arith.constant 0 : index
      %get3A_26 = arith.constant 0 : index
      %get3A_27 = vector.load %arg3[%get3A_25, %get3A_26] : memref<1x8xf32, #tpu.memory_space<vmem>>, vector<1x8xf32>
      %dot_general3A_28 = arith.constant dense<0.000000e+00> : vector<8x1xf32>
      %dot_general3A_29 = tpu.matmul %convert_element_type3A_1, %get3A_27, %dot_general3A_28 {dimension_numbers = #tpu.dot_dimension_numbers<[1], [1], [0], [0], [0, 0, 1, 0], [], []>, precision = #tpu.contract_precision<fp32>, transpose_lhs_hint = false} : vector<8x8xf32>, vector<1x8xf32>, vector<8x1xf32> -> vector<8x1xf32>
      %add3A = vector.broadcast %dot_general3A_29 : vector<8x1xf32> to vector<8x1024xf32>
      %add3A_30 = arith.addf %dot_general3A_24, %add3A : vector<8x1024xf32>
      %reduce_max3A = arith.constant dense<0xFF800000> : vector<1024xf32>
      %reduce_max3A_31 = vector.multi_reduction <maximumf>, %add3A_30, %reduce_max3A [0] : vector<8x1024xf32> to vector<1024xf32>
      %broadcast_in_dim3A = vector.shape_cast %reduce_max3A_31 : vector<1024xf32> to vector<1x1024xf32>
      %sub3A = vector.broadcast %broadcast_in_dim3A : vector<1x1024xf32> to vector<8x1024xf32>
      %sub3A_32 = arith.subf %add3A_30, %sub3A : vector<8x1024xf32>
      %exp3A = math.exp %sub3A_32 : vector<8x1024xf32>
      %reduce_sum3A = arith.constant dense<0.000000e+00> : vector<1024xf32>
      %reduce_sum3A_33 = vector.multi_reduction <add>, %exp3A, %reduce_sum3A [0] : vector<8x1024xf32> to vector<1024xf32>
      %broadcast_in_dim3A_34 = vector.shape_cast %reduce_sum3A_33 : vector<1024xf32> to vector<1x1024xf32>
      %div3A = arith.constant 1.000000e+00 : f32
      %div3A_35 = vector.broadcast %div3A : f32 to vector<1x1024xf32>
      %div3A_36 = arith.divf %div3A_35, %broadcast_in_dim3A_34 : vector<1x1024xf32>
      %iota3A_37 = tpu.iota {dimensions = array<i32: 0>} : vector<8x1024xi32>
      %convert_element_type3A_38 = arith.sitofp %iota3A_37 : vector<8x1024xi32> to vector<8x1024xf32>
      %ge3A_39 = vector.broadcast %broadcast_in_dim3A : vector<1x1024xf32> to vector<8x1024xf32>
      %ge3A_40 = arith.cmpf oge, %add3A_30, %ge3A_39 : vector<8x1024xf32>
      %jit3A = arith.constant 8.000000e+00 : f32
      %broadcast_in_dim3A_41 = vector.broadcast %jit3A : f32 to vector<8x1024xf32>
      %select_n3A = arith.select %ge3A_40, %convert_element_type3A_38, %broadcast_in_dim3A_41 : vector<8x1024xi1>, vector<8x1024xf32>
      %reduce_min3A = arith.constant dense<0x7F800000> : vector<1024xf32>
      %reduce_min3A_42 = vector.multi_reduction <minimumf>, %select_n3A, %reduce_min3A [0] : vector<8x1024xf32> to vector<1024xf32>
      %broadcast_in_dim3A_43 = vector.shape_cast %reduce_min3A_42 : vector<1024xf32> to vector<1x1024xf32>
      %eq3A_44 = vector.broadcast %broadcast_in_dim3A_43 : vector<1x1024xf32> to vector<8x1024xf32>
      %eq3A_45 = arith.cmpf oeq, %convert_element_type3A_38, %eq3A_44 : vector<8x1024xf32>
      %convert_element_type3A_46 = arith.extui %eq3A_45 : vector<8x1024xi1> to vector<8x1024xi32>
      %convert_element_type3A_47 = arith.sitofp %convert_element_type3A_46 : vector<8x1024xi32> to vector<8x1024xf32>
      %get3A_48 = arith.constant 0 : index
      %get3A_49 = arith.constant 0 : index
      %get3A_50 = vector.load %arg11[%get3A_48, %get3A_49] : memref<1024x1024xf32, #tpu.memory_space<vmem>>, vector<1024x1024xf32>
      %dot_general3A_51 = arith.constant dense<0.000000e+00> : vector<1024x1xf32>
      %dot_general3A_52 = tpu.matmul %get3A_50, %div3A_36, %dot_general3A_51 {dimension_numbers = #tpu.dot_dimension_numbers<[1], [1], [0], [0], [0, 0, 1, 0], [], []>, precision = #tpu.contract_precision<fp32>, transpose_lhs_hint = false} : vector<1024x1024xf32>, vector<1x1024xf32>, vector<1024x1xf32> -> vector<1024x1xf32>
      %iota3A_53 = tpu.iota {dimensions = array<i32: 1>} : vector<1x128xi32>
      %eq3A_54 = arith.constant 0 : i32
      %eq3A_55 = vector.broadcast %eq3A_54 : i32 to vector<1x128xi32>
      %eq3A_56 = arith.cmpi eq, %iota3A_53, %eq3A_55 : vector<1x128xi32>
      %convert_element_type3A_57 = arith.extui %eq3A_56 : vector<1x128xi1> to vector<1x128xi32>
      %convert_element_type3A_58 = arith.sitofp %convert_element_type3A_57 : vector<1x128xi32> to vector<1x128xf32>
      %mul3A = vector.broadcast %dot_general3A_52 : vector<1024x1xf32> to vector<1024x1024xf32>
      %mul3A_59 = arith.mulf %get3A_20, %mul3A : vector<1024x1024xf32>
      %mul3A_60 = vector.broadcast %dot_general3A_52 : vector<1024x1xf32> to vector<1024x128xf32>
      %mul3A_61 = vector.broadcast %convert_element_type3A_58 : vector<1x128xf32> to vector<1024x128xf32>
      %mul3A_62 = arith.mulf %mul3A_60, %mul3A_61 : vector<1024x128xf32>
      %concatenate3A = tpu.concatenate %mul3A_59, %mul3A_62 in 1 : vector<1024x1024xf32>, vector<1024x128xf32> -> vector<1024x1152xf32>
      %swap3A = arith.constant 0 : index
      %swap3A_63 = arith.constant 0 : index
      %swap3A_64 = vector.load %arg6[%swap3A, %swap3A_63] : memref<1024x1152xf32, #tpu.memory_space<vmem>>, vector<1024x1152xf32>
      tpu.vector_store %arg6[%swap3A, %swap3A_63], %concatenate3A {strides = array<i32>} : memref<1024x1152xf32, #tpu.memory_space<vmem>>, vector<1024x1152xf32>,
      %eq3A_65 = arith.constant 0 : i32
      %eq3A_66 = arith.cmpi eq, %arg0, %eq3A_65 : i32
      %convert_element_type3A_67 = arith.extui %eq3A_66 : i1 to i32
      %cond3A_68 = arith.constant 0 : i32
      %cond3A_69 = arith.cmpi ne, %convert_element_type3A_67, %cond3A_68 : i32
      scf.if %cond3A_69 {
        %broadcast_in_dim3A_94 = arith.constant 0.000000e+00 : f32
        %broadcast_in_dim3A_95 = vector.broadcast %broadcast_in_dim3A_94 : f32 to vector<1x8xf32>
        %swap3A_96 = arith.constant 0 : index
        %swap3A_97 = arith.constant 0 : index
        %swap3A_98 = vector.load %arg8[%swap3A_96, %swap3A_97] : memref<1x8xf32, #tpu.memory_space<vmem>>, vector<1x8xf32>
        tpu.vector_store %arg8[%swap3A_96, %swap3A_97], %broadcast_in_dim3A_95 {strides = array<i32>} : memref<1x8xf32, #tpu.memory_space<vmem>>, vector<1x8xf32>,
      } else {
      }
      %reduce_sum3A_70 = arith.constant dense<0.000000e+00> : vector<8xf32>
      %reduce_sum3A_71 = vector.multi_reduction <add>, %convert_element_type3A_47, %reduce_sum3A_70 [1] : vector<8x1024xf32> to vector<8xf32>
      %broadcast_in_dim3A_72 = vector.shape_cast %reduce_sum3A_71 : vector<8xf32> to vector<8x1xf32>
      %dot_general3A_73 = arith.constant dense<0.000000e+00> : vector<1x8xf32>
      %dot_general3A_74 = tpu.matmul %broadcast_in_dim3A_72, %convert_element_type3A_1, %dot_general3A_73 {dimension_numbers = #tpu.dot_dimension_numbers<[0], [0], [1], [1], [0, 1, 1, 1], [], []>, transpose_lhs_hint = false} : vector<8x1xf32>, vector<8x8xf32>, vector<1x8xf32> -> vector<1x8xf32>
      %get3A_75 = arith.constant 0 : index
      %get3A_76 = arith.constant 0 : index
      %get3A_77 = vector.load %arg8[%get3A_75, %get3A_76] : memref<1x8xf32, #tpu.memory_space<vmem>>, vector<1x8xf32>
      %swap3A_78 = arith.index_cast %arg0 : i32 to index
      %swap3A_79 = arith.constant 0 : index
      %swap3A_80 = vector.load %arg7[%swap3A_78, %swap3A_79] : memref<8x8xf32, #tpu.memory_space<vmem>>, vector<1x8xf32>
      tpu.vector_store %arg7[%swap3A_78, %swap3A_79], %get3A_77 {strides = array<i32>} : memref<8x8xf32, #tpu.memory_space<vmem>>, vector<1x8xf32>,
      %add3A_81 = arith.addf %get3A_77, %dot_general3A_74 : vector<1x8xf32>
      %swap3A_82 = arith.constant 0 : index
      %swap3A_83 = arith.constant 0 : index
      %swap3A_84 = vector.load %arg8[%swap3A_82, %swap3A_83] : memref<1x8xf32, #tpu.memory_space<vmem>>, vector<1x8xf32>
      tpu.vector_store %arg8[%swap3A_82, %swap3A_83], %add3A_81 {strides = array<i32>} : memref<1x8xf32, #tpu.memory_space<vmem>>, vector<1x8xf32>,
      %broadcast_in_dim3A_85 = arith.constant 0 : i32
      %broadcast_in_dim3A_86 = vector.broadcast %broadcast_in_dim3A_85 : i32 to vector<1024xi32>
      %swap3A_87 = arith.constant 0 : index
      %swap3A_88 = vector.load %arg4[%swap3A_87] : memref<1024xi32, #tpu.memory_space<vmem>>, vector<1024xi32>
      tpu.vector_store %arg4[%swap3A_87], %broadcast_in_dim3A_86 {strides = array<i32>} : memref<1024xi32, #tpu.memory_space<vmem>>, vector<1024xi32>,
      %eq3A_89 = arith.constant 3 : i32
      %eq3A_90 = arith.cmpi eq, %arg0, %eq3A_89 : i32
      %convert_element_type3A_91 = arith.extui %eq3A_90 : i1 to i32
      %cond3A_92 = arith.constant 0 : i32
      %cond3A_93 = arith.cmpi ne, %convert_element_type3A_91, %cond3A_92 : i32
      scf.if %cond3A_93 {
        %add3A_94 = arith.constant 2.550000e+02 : f32
        %add3A_95 = vector.broadcast %add3A_94 : f32 to vector<1x8xf32>
        %add3A_96 = arith.addf %add3A_81, %add3A_95 : vector<1x8xf32>
        %div3A_97 = arith.constant 2.560000e+02 : f32
        %div3A_98 = vector.broadcast %div3A_97 : f32 to vector<1x8xf32>
        %div3A_99 = arith.divf %add3A_96, %div3A_98 : vector<1x8xf32>
        %floor3A = math.floor %div3A_99 : vector<1x8xf32>
        %mul3A_100 = arith.constant 2.560000e+02 : f32
        %mul3A_101 = vector.broadcast %mul3A_100 : f32 to vector<1x8xf32>
        %mul3A_102 = arith.mulf %floor3A, %mul3A_101 : vector<1x8xf32>
        %iota3A_103 = tpu.iota {dimensions = array<i32: 0>} : vector<8x8xi32>
        %iota3A_104 = tpu.iota {dimensions = array<i32: 1>} : vector<8x8xi32>
        %lt3A_105 = arith.cmpi slt, %iota3A_103, %iota3A_104 : vector<8x8xi32>
        %convert_element_type3A_106 = arith.extui %lt3A_105 : vector<8x8xi1> to vector<8x8xi32>
        %convert_element_type3A_107 = arith.sitofp %convert_element_type3A_106 : vector<8x8xi32> to vector<8x8xf32>
        %dot_general3A_108 = arith.constant dense<0.000000e+00> : vector<1x8xf32>
        %dot_general3A_109 = tpu.matmul %mul3A_102, %convert_element_type3A_107, %dot_general3A_108 {dimension_numbers = #tpu.dot_dimension_numbers<[1], [0], [0], [1], [0, 0, 1, 1], [], []>, transpose_lhs_hint = false} : vector<1x8xf32>, vector<8x8xf32>, vector<1x8xf32> -> vector<1x8xf32>
        %swap3A_110 = arith.constant 0 : index
        %swap3A_111 = arith.constant 0 : index
        %swap3A_112 = vector.load %arg9[%swap3A_110, %swap3A_111] : memref<1x8xf32, #tpu.memory_space<vmem>>, vector<1x8xf32>
        tpu.vector_store %arg9[%swap3A_110, %swap3A_111], %dot_general3A_109 {strides = array<i32>} : memref<1x8xf32, #tpu.memory_space<vmem>>, vector<1x8xf32>,
      } else {
      }
    } else {
    }
    %ge3A = arith.constant 4 : i32
    %ge3A_10 = arith.cmpi sge, %arg0, %ge3A : i32
    %convert_element_type3A_11 = arith.extui %ge3A_10 : i1 to i32
    %cond3A_12 = arith.constant 0 : i32
    %cond3A_13 = arith.cmpi ne, %convert_element_type3A_11, %cond3A_12 : i32
    scf.if %cond3A_13 {
      %sub3A = arith.constant 4 : i32
      %sub3A_19 = arith.subi %arg0, %sub3A : i32
      %get3A = arith.constant 0 : index
      %get3A_20 = arith.constant 0 : index
      %get3A_21 = vector.load %arg1[%get3A, %get3A_20] : memref<1024x1024xf32, #tpu.memory_space<vmem>>, vector<1024x1024xf32>
      %get3A_22 = arith.constant 0 : index
      %get3A_23 = arith.constant 0 : index
      %get3A_24 = vector.load %arg2[%get3A_22, %get3A_23] : memref<8x1024xf32, #tpu.memory_space<vmem>>, vector<8x1024xf32>
      %dot_general3A = arith.constant dense<0.000000e+00> : vector<8x1024xf32>
      %dot_general3A_25 = tpu.matmul %get3A_24, %get3A_21, %dot_general3A {dimension_numbers = #tpu.dot_dimension_numbers<[1], [1], [0], [0], [0, 0, 1, 0], [], []>, transpose_lhs_hint = false} : vector<8x1024xf32>, vector<1024x1024xf32>, vector<8x1024xf32> -> vector<8x1024xf32>
      %get3A_26 = arith.constant 0 : index
      %get3A_27 = arith.constant 0 : index
      %get3A_28 = vector.load %arg3[%get3A_26, %get3A_27] : memref<1x8xf32, #tpu.memory_space<vmem>>, vector<1x8xf32>
      %dot_general3A_29 = arith.constant dense<0.000000e+00> : vector<8x1xf32>
      %dot_general3A_30 = tpu.matmul %convert_element_type3A_1, %get3A_28, %dot_general3A_29 {dimension_numbers = #tpu.dot_dimension_numbers<[1], [1], [0], [0], [0, 0, 1, 0], [], []>, precision = #tpu.contract_precision<fp32>, transpose_lhs_hint = false} : vector<8x8xf32>, vector<1x8xf32>, vector<8x1xf32> -> vector<8x1xf32>
      %add3A = vector.broadcast %dot_general3A_30 : vector<8x1xf32> to vector<8x1024xf32>
      %add3A_31 = arith.addf %dot_general3A_25, %add3A : vector<8x1024xf32>
      %reduce_max3A = arith.constant dense<0xFF800000> : vector<1024xf32>
      %reduce_max3A_32 = vector.multi_reduction <maximumf>, %add3A_31, %reduce_max3A [0] : vector<8x1024xf32> to vector<1024xf32>
      %broadcast_in_dim3A = vector.shape_cast %reduce_max3A_32 : vector<1024xf32> to vector<1x1024xf32>
      %iota3A_33 = tpu.iota {dimensions = array<i32: 0>} : vector<8x1024xi32>
      %convert_element_type3A_34 = arith.sitofp %iota3A_33 : vector<8x1024xi32> to vector<8x1024xf32>
      %ge3A_35 = vector.broadcast %broadcast_in_dim3A : vector<1x1024xf32> to vector<8x1024xf32>
      %ge3A_36 = arith.cmpf oge, %add3A_31, %ge3A_35 : vector<8x1024xf32>
      %jit3A = arith.constant 8.000000e+00 : f32
      %broadcast_in_dim3A_37 = vector.broadcast %jit3A : f32 to vector<8x1024xf32>
      %select_n3A = arith.select %ge3A_36, %convert_element_type3A_34, %broadcast_in_dim3A_37 : vector<8x1024xi1>, vector<8x1024xf32>
      %reduce_min3A = arith.constant dense<0x7F800000> : vector<1024xf32>
      %reduce_min3A_38 = vector.multi_reduction <minimumf>, %select_n3A, %reduce_min3A [0] : vector<8x1024xf32> to vector<1024xf32>
      %broadcast_in_dim3A_39 = vector.shape_cast %reduce_min3A_38 : vector<1024xf32> to vector<1x1024xf32>
      %eq3A_40 = vector.broadcast %broadcast_in_dim3A_39 : vector<1x1024xf32> to vector<8x1024xf32>
      %eq3A_41 = arith.cmpf oeq, %convert_element_type3A_34, %eq3A_40 : vector<8x1024xf32>
      %convert_element_type3A_42 = arith.extui %eq3A_41 : vector<8x1024xi1> to vector<8x1024xi32>
      %convert_element_type3A_43 = arith.sitofp %convert_element_type3A_42 : vector<8x1024xi32> to vector<8x1024xf32>
      %get3A_44 = arith.constant 0 : index
      %get3A_45 = arith.constant 0 : index
      %get3A_46 = vector.load %arg10[%get3A_44, %get3A_45] : memref<1024x1024xf32, #tpu.memory_space<vmem>>, vector<1024x1024xf32>
      %dot_general3A_47 = arith.constant dense<0.000000e+00> : vector<8x1024xf32>
      %dot_general3A_48 = tpu.matmul %convert_element_type3A_43, %get3A_46, %dot_general3A_47 {dimension_numbers = #tpu.dot_dimension_numbers<[1], [0], [0], [1], [0, 0, 1, 1], [], []>, transpose_lhs_hint = false} : vector<8x1024xf32>, vector<1024x1024xf32>, vector<8x1024xf32> -> vector<8x1024xf32>
      %get3A_49 = arith.index_cast %sub3A_19 : i32 to index
      %get3A_50 = arith.constant 0 : index
      %get3A_51 = vector.load %arg7[%get3A_49, %get3A_50] : memref<8x8xf32, #tpu.memory_space<vmem>>, vector<1x8xf32>
      %dot_general3A_52 = arith.constant dense<0.000000e+00> : vector<8x1xf32>
      %dot_general3A_53 = tpu.matmul %convert_element_type3A_1, %get3A_51, %dot_general3A_52 {dimension_numbers = #tpu.dot_dimension_numbers<[1], [1], [0], [0], [0, 0, 1, 0], [], []>, precision = #tpu.contract_precision<fp32>, transpose_lhs_hint = false} : vector<8x8xf32>, vector<1x8xf32>, vector<8x1xf32> -> vector<8x1xf32>
      %get3A_54 = arith.constant 0 : index
      %get3A_55 = arith.constant 0 : index
      %get3A_56 = vector.load %arg9[%get3A_54, %get3A_55] : memref<1x8xf32, #tpu.memory_space<vmem>>, vector<1x8xf32>
      %dot_general3A_57 = arith.constant dense<0.000000e+00> : vector<8x1xf32>
      %dot_general3A_58 = tpu.matmul %convert_element_type3A_1, %get3A_56, %dot_general3A_57 {dimension_numbers = #tpu.dot_dimension_numbers<[1], [1], [0], [0], [0, 0, 1, 0], [], []>, precision = #tpu.contract_precision<fp32>, transpose_lhs_hint = false} : vector<8x8xf32>, vector<1x8xf32>, vector<8x1xf32> -> vector<8x1xf32>
      %sub3A_59 = arith.constant 1.000000e+00 : f32
      %sub3A_60 = vector.broadcast %sub3A_59 : f32 to vector<8x1024xf32>
      %sub3A_61 = arith.subf %dot_general3A_48, %sub3A_60 : vector<8x1024xf32>
      %add3A_62 = vector.broadcast %dot_general3A_53 : vector<8x1xf32> to vector<8x1024xf32>
      %add3A_63 = arith.addf %sub3A_61, %add3A_62 : vector<8x1024xf32>
      %add3A_64 = vector.broadcast %dot_general3A_58 : vector<8x1xf32> to vector<8x1024xf32>
      %add3A_65 = arith.addf %add3A_63, %add3A_64 : vector<8x1024xf32>
      %mul3A = arith.mulf %convert_element_type3A_43, %add3A_65 : vector<8x1024xf32>
      %reduce_sum3A = arith.constant dense<0.000000e+00> : vector<1024xf32>
      %reduce_sum3A_66 = vector.multi_reduction <add>, %mul3A, %reduce_sum3A [0] : vector<8x1024xf32> to vector<1024xf32>
      %broadcast_in_dim3A_67 = vector.shape_cast %reduce_sum3A_66 : vector<1024xf32> to vector<1x1024xf32>
      %reshape3A = vector.shape_cast %broadcast_in_dim3A_67 : vector<1x1024xf32> to vector<1024xf32>
      %convert_element_type3A_68 = arith.fptosi %reshape3A : vector<1024xf32> to vector<1024xi32>
      %swap3A = arith.constant 0 : index
      %swap3A_69 = vector.load %arg4[%swap3A] : memref<1024xi32, #tpu.memory_space<vmem>>, vector<1024xi32>
      tpu.vector_store %arg4[%swap3A], %convert_element_type3A_68 {strides = array<i32>} : memref<1024xi32, #tpu.memory_space<vmem>>, vector<1024xi32>,
    } else {
    }
    %eq3A_14 = arith.constant 7 : i32
    %eq3A_15 = arith.cmpi eq, %arg0, %eq3A_14 : i32
    %convert_element_type3A_16 = arith.extui %eq3A_15 : i1 to i32
    %cond3A_17 = arith.constant 0 : i32
    %cond3A_18 = arith.cmpi ne, %convert_element_type3A_16, %cond3A_17 : i32
    scf.if %cond3A_18 {
      %iota3A_19 = tpu.iota {dimensions = array<i32: 0>} : vector<128x128xi32>
      %iota3A_20 = tpu.iota {dimensions = array<i32: 1>} : vector<128x128xi32>
      %eq3A_21 = arith.cmpi eq, %iota3A_19, %iota3A_20 : vector<128x128xi32>
      %convert_element_type3A_22 = arith.extui %eq3A_21 : vector<128x128xi1> to vector<128x128xi32>
      %convert_element_type3A_23 = arith.sitofp %convert_element_type3A_22 : vector<128x128xi32> to vector<128x128xf32>
      %iota3A_24 = tpu.iota {dimensions = array<i32: 1>} : vector<1x128xi32>
      %convert_element_type3A_25 = arith.sitofp %iota3A_24 : vector<1x128xi32> to vector<1x128xf32>
      %get3A = arith.constant 0 : index
      %get3A_26 = arith.constant 0 : index
      %get3A_27 = vector.load %arg9[%get3A, %get3A_26] : memref<1x8xf32, #tpu.memory_space<vmem>>, vector<1x8xf32>
      %dot_general3A = arith.constant dense<0.000000e+00> : vector<8x1xf32>
      %dot_general3A_28 = tpu.matmul %convert_element_type3A_1, %get3A_27, %dot_general3A {dimension_numbers = #tpu.dot_dimension_numbers<[1], [1], [0], [0], [0, 0, 1, 0], [], []>, precision = #tpu.contract_precision<fp32>, transpose_lhs_hint = false} : vector<8x8xf32>, vector<1x8xf32>, vector<8x1xf32> -> vector<8x1xf32>
      %mul3A = arith.constant 2.560000e+02 : f32
      %mul3A_29 = vector.broadcast %mul3A : f32 to vector<1x128xf32>
      %mul3A_30 = arith.mulf %convert_element_type3A_25, %mul3A_29 : vector<1x128xf32>
      %ge3A_31 = vector.broadcast %mul3A_30 : vector<1x128xf32> to vector<8x128xf32>
      %ge3A_32 = vector.broadcast %dot_general3A_28 : vector<8x1xf32> to vector<8x128xf32>
      %ge3A_33 = arith.cmpf oge, %ge3A_31, %ge3A_32 : vector<8x128xf32>
      %convert_element_type3A_34 = arith.extui %ge3A_33 : vector<8x128xi1> to vector<8x128xi32>
      %convert_element_type3A_35 = arith.sitofp %convert_element_type3A_34 : vector<8x128xi32> to vector<8x128xf32>
      %reduce_sum3A = arith.constant dense<0.000000e+00> : vector<128xf32>
      %reduce_sum3A_36 = vector.multi_reduction <add>, %convert_element_type3A_35, %reduce_sum3A [0] : vector<8x128xf32> to vector<128xf32>
      %broadcast_in_dim3A = vector.shape_cast %reduce_sum3A_36 : vector<128xf32> to vector<1x128xf32>
      %sub3A = arith.constant 1.000000e+00 : f32
      %sub3A_37 = vector.broadcast %sub3A : f32 to vector<1x128xf32>
      %sub3A_38 = arith.subf %broadcast_in_dim3A, %sub3A_37 : vector<1x128xf32>
      %iota3A_39 = tpu.iota {dimensions = array<i32: 0>} : vector<128x128xi32>
      %iota3A_40 = tpu.iota {dimensions = array<i32: 1>} : vector<128x128xi32>
      %sub3A_41 = arith.constant 1 : i32
      %sub3A_42 = vector.broadcast %sub3A_41 : i32 to vector<128x128xi32>
      %sub3A_43 = arith.subi %iota3A_40, %sub3A_42 : vector<128x128xi32>
      %eq3A_44 = arith.cmpi eq, %iota3A_39, %sub3A_43 : vector<128x128xi32>
      %convert_element_type3A_45 = arith.extui %eq3A_44 : vector<128x128xi1> to vector<128x128xi32>
      %convert_element_type3A_46 = arith.sitofp %convert_element_type3A_45 : vector<128x128xi32> to vector<128x128xf32>
      %dot_general3A_47 = arith.constant dense<0.000000e+00> : vector<1x128xf32>
      %dot_general3A_48 = tpu.matmul %sub3A_38, %convert_element_type3A_46, %dot_general3A_47 {dimension_numbers = #tpu.dot_dimension_numbers<[1], [0], [0], [1], [0, 0, 1, 1], [], []>, transpose_lhs_hint = false} : vector<1x128xf32>, vector<128x128xf32>, vector<1x128xf32> -> vector<1x128xf32>
      %eq3A_49 = arith.constant 0.000000e+00 : f32
      %eq3A_50 = vector.broadcast %eq3A_49 : f32 to vector<1x128xf32>
      %eq3A_51 = arith.cmpf oeq, %convert_element_type3A_25, %eq3A_50 : vector<1x128xf32>
      %ne3A = arith.cmpf one, %sub3A_38, %dot_general3A_48 : vector<1x128xf32>
      %convert_element_type3A_52 = arith.extui %ne3A : vector<1x128xi1> to vector<1x128xi32>
      %convert_element_type3A_53 = arith.sitofp %convert_element_type3A_52 : vector<1x128xi32> to vector<1x128xf32>
      %jit3A = arith.constant 1.000000e+00 : f32
      %broadcast_in_dim3A_54 = vector.broadcast %jit3A : f32 to vector<1x128xf32>
      %select_n3A = arith.select %eq3A_51, %broadcast_in_dim3A_54, %convert_element_type3A_53 : vector<1x128xi1>, vector<1x128xf32>
      %iota3A_55 = tpu.iota {dimensions = array<i32: 0>} : vector<128x128xi32>
      %iota3A_56 = tpu.iota {dimensions = array<i32: 1>} : vector<128x128xi32>
      %le3A = arith.cmpi sle, %iota3A_55, %iota3A_56 : vector<128x128xi32>
      %convert_element_type3A_57 = arith.extui %le3A : vector<128x128xi1> to vector<128x128xi32>
      %convert_element_type3A_58 = arith.sitofp %convert_element_type3A_57 : vector<128x128xi32> to vector<128x128xf32>
      %dot_general3A_59 = arith.constant dense<0.000000e+00> : vector<1x128xf32>
      %dot_general3A_60 = tpu.matmul %select_n3A, %convert_element_type3A_58, %dot_general3A_59 {dimension_numbers = #tpu.dot_dimension_numbers<[1], [0], [0], [1], [0, 0, 1, 1], [], []>, transpose_lhs_hint = false} : vector<1x128xf32>, vector<128x128xf32>, vector<1x128xf32> -> vector<1x128xf32>
      %sub3A_61 = arith.constant 1.000000e+00 : f32
      %sub3A_62 = vector.broadcast %sub3A_61 : f32 to vector<1x128xf32>
      %sub3A_63 = arith.subf %dot_general3A_60, %sub3A_62 : vector<1x128xf32>
      %mul3A_64 = arith.constant 5.000000e-01 : f32
      %mul3A_65 = vector.broadcast %mul3A_64 : f32 to vector<1x128xf32>
      %mul3A_66 = arith.mulf %sub3A_63, %mul3A_65 : vector<1x128xf32>
      %floor3A = math.floor %mul3A_66 : vector<1x128xf32>
      %mul3A_67 = arith.constant 2.000000e+00 : f32
      %mul3A_68 = vector.broadcast %mul3A_67 : f32 to vector<1x128xf32>
      %mul3A_69 = arith.mulf %mul3A_68, %floor3A : vector<1x128xf32>
      %sub3A_70 = arith.subf %sub3A_63, %mul3A_69 : vector<1x128xf32>
      %reduce_max3A = arith.constant dense<0xFF800000> : vector<1xf32>
      %reduce_max3A_71 = vector.multi_reduction <maximumf>, %dot_general3A_60, %reduce_max3A [1] : vector<1x128xf32> to vector<1xf32>
      %broadcast_in_dim3A_72 = vector.shape_cast %reduce_max3A_71 : vector<1xf32> to vector<1x1xf32>
      %lt3A_73 = vector.broadcast %broadcast_in_dim3A_72 : vector<1x1xf32> to vector<1x128xf32>
      %lt3A_74 = arith.cmpf olt, %dot_general3A_60, %lt3A_73 : vector<1x128xf32>
      %convert_element_type3A_75 = arith.extui %lt3A_74 : vector<1x128xi1> to vector<1x128xi32>
      %convert_element_type3A_76 = arith.sitofp %convert_element_type3A_75 : vector<1x128xi32> to vector<1x128xf32>
      %mul3A_77 = arith.mulf %select_n3A, %convert_element_type3A_76 : vector<1x128xf32>
      %dot_general3A_78 = arith.constant dense<0.000000e+00> : vector<128x1xf32>
      %dot_general3A_79 = tpu.matmul %convert_element_type3A_23, %dot_general3A_60, %dot_general3A_78 {dimension_numbers = #tpu.dot_dimension_numbers<[1], [1], [0], [0], [0, 0, 1, 0], [], []>, precision = #tpu.contract_precision<fp32>, transpose_lhs_hint = false} : vector<128x128xf32>, vector<1x128xf32>, vector<128x1xf32> -> vector<128x1xf32>
      %add3A = arith.constant 1.000000e+00 : f32
      %add3A_80 = vector.broadcast %add3A : f32 to vector<1x128xf32>
      %add3A_81 = arith.addf %dot_general3A_60, %add3A_80 : vector<1x128xf32>
      %eq3A_82 = vector.broadcast %dot_general3A_79 : vector<128x1xf32> to vector<128x128xf32>
      %eq3A_83 = vector.broadcast %add3A_81 : vector<1x128xf32> to vector<128x128xf32>
      %eq3A_84 = arith.cmpf oeq, %eq3A_82, %eq3A_83 : vector<128x128xf32>
      %convert_element_type3A_85 = arith.extui %eq3A_84 : vector<128x128xi1> to vector<128x128xi32>
      %convert_element_type3A_86 = arith.sitofp %convert_element_type3A_85 : vector<128x128xi32> to vector<128x128xf32>
      %mul3A_87 = arith.mulf %select_n3A, %sub3A_38 : vector<1x128xf32>
      %dot_general3A_88 = arith.constant dense<0.000000e+00> : vector<1x128xf32>
      %dot_general3A_89 = tpu.matmul %mul3A_87, %convert_element_type3A_86, %dot_general3A_88 {dimension_numbers = #tpu.dot_dimension_numbers<[1], [0], [0], [1], [0, 0, 1, 1], [], []>, transpose_lhs_hint = false} : vector<1x128xf32>, vector<128x128xf32>, vector<1x128xf32> -> vector<1x128xf32>
      %mul3A_90 = arith.mulf %select_n3A, %convert_element_type3A_25 : vector<1x128xf32>
      %dot_general3A_91 = arith.constant dense<0.000000e+00> : vector<1x128xf32>
      %dot_general3A_92 = tpu.matmul %mul3A_90, %convert_element_type3A_86, %dot_general3A_91 {dimension_numbers = #tpu.dot_dimension_numbers<[1], [0], [0], [1], [0, 0, 1, 1], [], []>, transpose_lhs_hint = false} : vector<1x128xf32>, vector<128x128xf32>, vector<1x128xf32> -> vector<1x128xf32>
      %add3A_93 = arith.constant 1.000000e+00 : f32
      %add3A_94 = vector.broadcast %add3A_93 : f32 to vector<1x128xf32>
      %add3A_95 = arith.addf %sub3A_70, %add3A_94 : vector<1x128xf32>
      %mul3A_96 = arith.constant 5.000000e-01 : f32
      %mul3A_97 = vector.broadcast %mul3A_96 : f32 to vector<1x128xf32>
      %mul3A_98 = arith.mulf %add3A_95, %mul3A_97 : vector<1x128xf32>
      %floor3A_99 = math.floor %mul3A_98 : vector<1x128xf32>
      %mul3A_100 = arith.constant 2.000000e+00 : f32
      %mul3A_101 = vector.broadcast %mul3A_100 : f32 to vector<1x128xf32>
      %mul3A_102 = arith.mulf %mul3A_101, %floor3A_99 : vector<1x128xf32>
      %sub3A_103 = arith.subf %add3A_95, %mul3A_102 : vector<1x128xf32>
      %get3A_104 = arith.constant 0 : index
      %get3A_105 = arith.constant 0 : index
      %get3A_106 = vector.load %arg8[%get3A_104, %get3A_105] : memref<1x8xf32, #tpu.memory_space<vmem>>, vector<1x8xf32>
      %add3A_107 = arith.constant 2.550000e+02 : f32
      %add3A_108 = vector.broadcast %add3A_107 : f32 to vector<1x8xf32>
      %add3A_109 = arith.addf %get3A_106, %add3A_108 : vector<1x8xf32>
      %div3A = arith.constant 2.560000e+02 : f32
      %div3A_110 = vector.broadcast %div3A : f32 to vector<1x8xf32>
      %div3A_111 = arith.divf %add3A_109, %div3A_110 : vector<1x8xf32>
      %floor3A_112 = math.floor %div3A_111 : vector<1x8xf32>
      %mul3A_113 = arith.constant 2.560000e+02 : f32
      %mul3A_114 = vector.broadcast %mul3A_113 : f32 to vector<1x8xf32>
      %mul3A_115 = arith.mulf %floor3A_112, %mul3A_114 : vector<1x8xf32>
      %reduce_sum3A_116 = arith.constant dense<0.000000e+00> : vector<1xf32>
      %reduce_sum3A_117 = vector.multi_reduction <add>, %mul3A_115, %reduce_sum3A_116 [1] : vector<1x8xf32> to vector<1xf32>
      %broadcast_in_dim3A_118 = vector.shape_cast %reduce_sum3A_117 : vector<1xf32> to vector<1x1xf32>
      %mul3A_119 = arith.constant 3.906250e-03 : f32
      %mul3A_120 = vector.broadcast %mul3A_119 : f32 to vector<1x1xf32>
      %mul3A_121 = arith.mulf %broadcast_in_dim3A_118, %mul3A_120 : vector<1x1xf32>
      %lt3A_122 = vector.broadcast %mul3A_121 : vector<1x1xf32> to vector<1x128xf32>
      %lt3A_123 = arith.cmpf olt, %dot_general3A_92, %lt3A_122 : vector<1x128xf32>
      %convert_element_type3A_124 = arith.extui %lt3A_123 : vector<1x128xi1> to vector<1x128xi32>
      %convert_element_type3A_125 = arith.sitofp %convert_element_type3A_124 : vector<1x128xi32> to vector<1x128xf32>
      %mul3A_126 = arith.mulf %mul3A_77, %convert_element_type3A_125 : vector<1x128xf32>
      %broadcast_in_dim3A_127 = arith.constant 1.000000e+00 : f32
      %broadcast_in_dim3A_128 = vector.broadcast %broadcast_in_dim3A_127 : f32 to vector<1x128xf32>
      %mul3A_129 = vector.broadcast %mul3A_121 : vector<1x1xf32> to vector<1x128xf32>
      %mul3A_130 = arith.mulf %mul3A_129, %broadcast_in_dim3A_128 : vector<1x128xf32>
      %broadcast_in_dim3A_131 = arith.constant 0.000000e+00 : f32
      %broadcast_in_dim3A_132 = vector.broadcast %broadcast_in_dim3A_131 : f32 to vector<1x128xf32>
      %concatenate3A = tpu.concatenate %sub3A_38, %select_n3A, %sub3A_70, %mul3A_126, %dot_general3A_89, %sub3A_103, %mul3A_130, %broadcast_in_dim3A_132 in 0 : vector<1x128xf32>, vector<1x128xf32>, vector<1x128xf32>, vector<1x128xf32>, vector<1x128xf32>, vector<1x128xf32>, vector<1x128xf32>, vector<1x128xf32> -> vector<8x128xf32>
      %convert_element_type3A_133 = arith.fptosi %concatenate3A : vector<8x128xf32> to vector<8x128xi32>
      %swap3A = arith.constant 0 : index
      %swap3A_134 = arith.constant 0 : index
      %swap3A_135 = vector.load %arg5[%swap3A, %swap3A_134] : memref<8x128xi32, #tpu.memory_space<vmem>>, vector<8x128xi32>
      tpu.vector_store %arg5[%swap3A, %swap3A_134], %convert_element_type3A_133 {strides = array<i32>} : memref<8x128xi32, #tpu.memory_space<vmem>>, vector<8x128xi32>,
    } else {
    }
    return
  }
  func.func @transform_0(%arg0: i32) -> (i32, i32) {
    %rem3A = arith.constant 4 : i32
    %rem3A_0 = arith.remsi %arg0, %rem3A : i32
    %c0_i32 = arith.constant 0 : i32
    %c0_i32_1 = arith.constant 0 : i32
    return %rem3A_0, %c0_i32 : i32, i32
  }
  func.func @transform_1(%arg0: i32) -> (i32, i32) {
    %c0_i32 = arith.constant 0 : i32
    %c0_i32_0 = arith.constant 0 : i32
    %c0_i32_1 = arith.constant 0 : i32
    return %c0_i32, %c0_i32_0 : i32, i32
  }
  func.func @transform_2(%arg0: i32) -> (i32, i32) {
    %c0_i32 = arith.constant 0 : i32
    %c0_i32_0 = arith.constant 0 : i32
    %c0_i32_1 = arith.constant 0 : i32
    return %c0_i32, %c0_i32_0 : i32, i32
  }
  func.func @transform_3(%arg0: i32) -> i32 {
    %lt3A = arith.constant 4 : i32
    %lt3A_0 = arith.cmpi slt, %arg0, %lt3A : i32
    %sub3A = arith.constant 4 : i32
    %sub3A_1 = arith.subi %arg0, %sub3A : i32
    %jit3A = arith.constant 4 : i32
    %select_n3A = arith.select %lt3A_0, %jit3A, %sub3A_1 : i32
    %c0_i32 = arith.constant 0 : i32
    return %select_n3A : i32
  }
  func.func @transform_4(%arg0: i32) -> (i32, i32) {
    %c0_i32 = arith.constant 0 : i32
    %c0_i32_0 = arith.constant 0 : i32
    %c0_i32_1 = arith.constant 0 : i32
    return %c0_i32, %c0_i32_0 : i32, i32
  }
  func.func @transform_5(%arg0: i32) -> (i32, i32) {
    %lt3A = arith.constant 4 : i32
    %lt3A_0 = arith.cmpi slt, %arg0, %lt3A : i32
    %jit3A = arith.constant 4 : i32
    %select_n3A = arith.select %lt3A_0, %arg0, %jit3A : i32
    %c0_i32 = arith.constant 0 : i32
    %c0_i32_1 = arith.constant 0 : i32
    return %select_n3A, %c0_i32 : i32, i32
  }
}

module attributes {stable_mosaic.version = 14 : i64} {
  func.func @_matmul_body(%arg0: i32, %arg1: memref<8x128xi32, #tpu.memory_space<smem>>, %arg2: memref<256x1152xf32, #tpu.memory_space<vmem>>, %arg3: memref<8x1024x1024xf32, #tpu.memory_space<any>>, %arg4: memref<8x1024xf32, #tpu.memory_space<vmem>>, %arg5: memref<256x1024xf32, #tpu.memory_space<vmem>>, %arg6: memref<2x1024x1024xf32, #tpu.memory_space<vmem>>, %arg7: memref<2x!tpu.dma_semaphore, #tpu.memory_space<semaphore_mem>>) attributes {dimension_semantics = [#tpu.dimension_semantics<arbitrary>], iteration_bounds = array<i64: 24>, scalar_prefetch = 1 : i64, scratch_operands = 2 : i64, tpu.core_type = #tpu.core_type<tc>, window_params = [{transform_indices = @transform_0, window_bounds = array<i64: 256, 1152>}, {}, {pipeline_mode = #tpu.pipeline_mode<synchronous>, transform_indices = @transform_2, window_bounds = array<i64: 8, 1024>}, {transform_indices = @transform_3, window_bounds = array<i64: 256, 1024>}]} {
    %get3A = arith.constant 0 : index
    %get3A_0 = arith.index_cast %arg0 : i32 to index
    %get3A_1 = memref.load %arg1[%get3A, %get3A_0] : memref<8x128xi32, #tpu.memory_space<smem>>
    %get3A_2 = arith.constant 1 : index
    %get3A_3 = arith.index_cast %arg0 : i32 to index
    %get3A_4 = memref.load %arg1[%get3A_2, %get3A_3] : memref<8x128xi32, #tpu.memory_space<smem>>
    %get3A_5 = arith.constant 2 : index
    %get3A_6 = arith.index_cast %arg0 : i32 to index
    %get3A_7 = memref.load %arg1[%get3A_5, %get3A_6] : memref<8x128xi32, #tpu.memory_space<smem>>
    %get3A_8 = arith.constant 3 : index
    %get3A_9 = arith.index_cast %arg0 : i32 to index
    %get3A_10 = memref.load %arg1[%get3A_8, %get3A_9] : memref<8x128xi32, #tpu.memory_space<smem>>
    %get3A_11 = arith.constant 4 : index
    %get3A_12 = arith.index_cast %arg0 : i32 to index
    %get3A_13 = memref.load %arg1[%get3A_11, %get3A_12] : memref<8x128xi32, #tpu.memory_space<smem>>
    %get3A_14 = arith.constant 5 : index
    %get3A_15 = arith.index_cast %arg0 : i32 to index
    %get3A_16 = memref.load %arg1[%get3A_14, %get3A_15] : memref<8x128xi32, #tpu.memory_space<smem>>
    %get3A_17 = arith.constant 6 : index
    %get3A_18 = arith.constant 0 : index
    %get3A_19 = memref.load %arg1[%get3A_17, %get3A_18] : memref<8x128xi32, #tpu.memory_space<smem>>
    %lt3A = arith.cmpi slt, %arg0, %get3A_19 : i32
    %eq3A = arith.constant 0 : i32
    %eq3A_20 = arith.cmpi eq, %arg0, %eq3A : i32
    %convert_element_type3A = arith.extui %eq3A_20 : i1 to i32
    %cond3A = arith.constant 0 : i32
    %cond3A_21 = arith.cmpi ne, %convert_element_type3A, %cond3A : i32
    scf.if %cond3A_21 {
      %dma_start3A = arith.constant 0 : i32
      %dma_start3A_36 = arith.constant 0 : i32
      %dma_start3A_37 = tpu.memref_slice %arg7[%dma_start3A_36] : memref<2x!tpu.dma_semaphore, #tpu.memory_space<semaphore_mem>> -> memref<1x!tpu.dma_semaphore, #tpu.memory_space<semaphore_mem>>
      %dma_start3A_38 = tpu.memref_squeeze %dma_start3A_37 : memref<1x!tpu.dma_semaphore, #tpu.memory_space<semaphore_mem>> -> memref<!tpu.dma_semaphore, #tpu.memory_space<semaphore_mem>>
      %dma_start3A_39 = arith.constant 0 : i32
      %dma_start3A_40 = arith.constant 0 : i32
      %dma_start3A_41 = tpu.memref_slice %arg6[%dma_start3A, %dma_start3A_39, %dma_start3A_40] : memref<2x1024x1024xf32, #tpu.memory_space<vmem>> -> memref<1x1024x1024xf32, #tpu.memory_space<vmem>>
      %dma_start3A_42 = tpu.memref_squeeze %dma_start3A_41 : memref<1x1024x1024xf32, #tpu.memory_space<vmem>> -> memref<1024x1024xf32, #tpu.memory_space<vmem>>
      %dma_start3A_43 = arith.constant 0 : i32
      %dma_start3A_44 = arith.constant 0 : i32
      %dma_start3A_45 = tpu.memref_slice %arg3[%get3A_1, %dma_start3A_43, %dma_start3A_44] : memref<8x1024x1024xf32, #tpu.memory_space<any>> -> memref<1x1024x1024xf32, #tpu.memory_space<any>>
      %dma_start3A_46 = tpu.memref_squeeze %dma_start3A_45 : memref<1x1024x1024xf32, #tpu.memory_space<any>> -> memref<1024x1024xf32, #tpu.memory_space<any>>
      tpu.enqueue_dma source(%dma_start3A_46 : memref<1024x1024xf32, #tpu.memory_space<any>>) target(%dma_start3A_42 : memref<1024x1024xf32, #tpu.memory_space<vmem>>) target_semaphore(%dma_start3A_38 : memref<!tpu.dma_semaphore, #tpu.memory_space<semaphore_mem>>)
    } else {
    }
    %eq3A_22 = arith.constant 1 : i32
    %eq3A_23 = arith.cmpi eq, %get3A_10, %eq3A_22 : i32
    %and3A = arith.andi %eq3A_23, %lt3A : i1
    %convert_element_type3A_24 = arith.extui %and3A : i1 to i32
    %cond3A_25 = arith.constant 0 : i32
    %cond3A_26 = arith.cmpi ne, %convert_element_type3A_24, %cond3A_25 : i32
    scf.if %cond3A_26 {
      %dma_start3A = tpu.memref_slice %arg7[%get3A_16] : memref<2x!tpu.dma_semaphore, #tpu.memory_space<semaphore_mem>> -> memref<1x!tpu.dma_semaphore, #tpu.memory_space<semaphore_mem>>
      %dma_start3A_36 = tpu.memref_squeeze %dma_start3A : memref<1x!tpu.dma_semaphore, #tpu.memory_space<semaphore_mem>> -> memref<!tpu.dma_semaphore, #tpu.memory_space<semaphore_mem>>
      %dma_start3A_37 = arith.constant 0 : i32
      %dma_start3A_38 = arith.constant 0 : i32
      %dma_start3A_39 = tpu.memref_slice %arg6[%get3A_16, %dma_start3A_37, %dma_start3A_38] : memref<2x1024x1024xf32, #tpu.memory_space<vmem>> -> memref<1x1024x1024xf32, #tpu.memory_space<vmem>>
      %dma_start3A_40 = tpu.memref_squeeze %dma_start3A_39 : memref<1x1024x1024xf32, #tpu.memory_space<vmem>> -> memref<1024x1024xf32, #tpu.memory_space<vmem>>
      %dma_start3A_41 = arith.constant 0 : i32
      %dma_start3A_42 = arith.constant 0 : i32
      %dma_start3A_43 = tpu.memref_slice %arg3[%get3A_13, %dma_start3A_41, %dma_start3A_42] : memref<8x1024x1024xf32, #tpu.memory_space<any>> -> memref<1x1024x1024xf32, #tpu.memory_space<any>>
      %dma_start3A_44 = tpu.memref_squeeze %dma_start3A_43 : memref<1x1024x1024xf32, #tpu.memory_space<any>> -> memref<1024x1024xf32, #tpu.memory_space<any>>
      tpu.enqueue_dma source(%dma_start3A_44 : memref<1024x1024xf32, #tpu.memory_space<any>>) target(%dma_start3A_40 : memref<1024x1024xf32, #tpu.memory_space<vmem>>) target_semaphore(%dma_start3A_36 : memref<!tpu.dma_semaphore, #tpu.memory_space<semaphore_mem>>)
    } else {
    }
    %eq3A_27 = arith.constant 1 : i32
    %eq3A_28 = arith.cmpi eq, %get3A_4, %eq3A_27 : i32
    %and3A_29 = arith.andi %eq3A_28, %lt3A : i1
    %convert_element_type3A_30 = arith.extui %and3A_29 : i1 to i32
    %cond3A_31 = arith.constant 0 : i32
    %cond3A_32 = arith.cmpi ne, %convert_element_type3A_30, %cond3A_31 : i32
    scf.if %cond3A_32 {
      %dma_wait3A = tpu.memref_slice %arg7[%get3A_7] : memref<2x!tpu.dma_semaphore, #tpu.memory_space<semaphore_mem>> -> memref<1x!tpu.dma_semaphore, #tpu.memory_space<semaphore_mem>>
      %dma_wait3A_36 = tpu.memref_squeeze %dma_wait3A : memref<1x!tpu.dma_semaphore, #tpu.memory_space<semaphore_mem>> -> memref<!tpu.dma_semaphore, #tpu.memory_space<semaphore_mem>>
      %dma_wait3A_37 = arith.constant 0 : i32
      %dma_wait3A_38 = arith.constant 0 : i32
      %dma_wait3A_39 = tpu.memref_slice %arg6[%get3A_7, %dma_wait3A_37, %dma_wait3A_38] : memref<2x1024x1024xf32, #tpu.memory_space<vmem>> -> memref<1x1024x1024xf32, #tpu.memory_space<vmem>>
      %dma_wait3A_40 = tpu.memref_squeeze %dma_wait3A_39 : memref<1x1024x1024xf32, #tpu.memory_space<vmem>> -> memref<1024x1024xf32, #tpu.memory_space<vmem>>
      %dma_wait3A_41 = arith.constant 0 : i32
      %dma_wait3A_42 = arith.constant 0 : i32
      %dma_wait3A_43 = tpu.memref_slice %arg3[%get3A_1, %dma_wait3A_41, %dma_wait3A_42] : memref<8x1024x1024xf32, #tpu.memory_space<any>> -> memref<1x1024x1024xf32, #tpu.memory_space<any>>
      %dma_wait3A_44 = tpu.memref_squeeze %dma_wait3A_43 : memref<1x1024x1024xf32, #tpu.memory_space<any>> -> memref<1024x1024xf32, #tpu.memory_space<any>>
      tpu.wait_dma2 semaphore(%dma_wait3A_36 : memref<!tpu.dma_semaphore, #tpu.memory_space<semaphore_mem>>) src(%dma_wait3A_44 : memref<1024x1024xf32, #tpu.memory_space<any>>) dst(%dma_wait3A_40 : memref<1024x1024xf32, #tpu.memory_space<vmem>>)
    } else {
    }
    %convert_element_type3A_33 = arith.extui %lt3A : i1 to i32
    %cond3A_34 = arith.constant 0 : i32
    %cond3A_35 = arith.cmpi ne, %convert_element_type3A_33, %cond3A_34 : i32
    scf.if %cond3A_35 {
      %get3A_36 = arith.constant 0 : index
      %get3A_37 = arith.constant 0 : index
      %get3A_38 = vector.load %arg2[%get3A_36, %get3A_37] : memref<256x1152xf32, #tpu.memory_space<vmem>>, vector<256x1024xf32>
      %get3A_39 = arith.index_cast %get3A_7 : i32 to index
      %get3A_40 = arith.constant 0 : index
      %get3A_41 = arith.constant 0 : index
      %get3A_42 = vector.load %arg6[%get3A_39, %get3A_40, %get3A_41] : memref<2x1024x1024xf32, #tpu.memory_space<vmem>>, vector<1x1024x1024xf32>
      %get3A_43 = vector.shape_cast %get3A_42 : vector<1x1024x1024xf32> to vector<1024x1024xf32>
      %dot_general3A = arith.constant dense<0.000000e+00> : vector<256x1024xf32>
      %dot_general3A_44 = tpu.matmul %get3A_38, %get3A_43, %dot_general3A {dimension_numbers = #tpu.dot_dimension_numbers<[1], [1], [0], [0], [0, 0, 1, 0], [], []>, transpose_lhs_hint = false} : vector<256x1024xf32>, vector<1024x1024xf32>, vector<256x1024xf32> -> vector<256x1024xf32>
      %get3A_45 = arith.constant 0 : index
      %get3A_46 = arith.constant 1024 : index
      %get3A_47 = vector.load %arg2[%get3A_45, %get3A_46] : memref<256x1152xf32, #tpu.memory_space<vmem>>, vector<256x1xf32>
      %get3A_48 = arith.index_cast %get3A_1 : i32 to index
      %get3A_49 = arith.constant 0 : index
      %get3A_50 = vector.load %arg4[%get3A_48, %get3A_49] : memref<8x1024xf32, #tpu.memory_space<vmem>>, vector<1x1024xf32>
      %mul3A = vector.broadcast %get3A_47 : vector<256x1xf32> to vector<256x1024xf32>
      %mul3A_51 = vector.broadcast %get3A_50 : vector<1x1024xf32> to vector<256x1024xf32>
      %mul3A_52 = arith.mulf %mul3A, %mul3A_51 : vector<256x1024xf32>
      %add3A = arith.addf %dot_general3A_44, %mul3A_52 : vector<256x1024xf32>
      %swap3A = arith.constant 0 : index
      %swap3A_53 = arith.constant 0 : index
      %swap3A_54 = vector.load %arg5[%swap3A, %swap3A_53] : memref<256x1024xf32, #tpu.memory_space<vmem>>, vector<256x1024xf32>
      tpu.vector_store %arg5[%swap3A, %swap3A_53], %add3A {strides = array<i32>} : memref<256x1024xf32, #tpu.memory_space<vmem>>, vector<256x1024xf32>,
    } else {
    }
    return
  }
  func.func @transform_0(%arg0: i32, %arg1: memref<8x128xi32, #tpu.memory_space<smem>>) -> (i32, i32) {
    %get3A = arith.constant 6 : index
    %get3A_0 = arith.constant 0 : index
    %get3A_1 = memref.load %arg1[%get3A, %get3A_0] : memref<8x128xi32, #tpu.memory_space<smem>>
    %sub3A = arith.constant 1 : i32
    %sub3A_2 = arith.subi %get3A_1, %sub3A : i32
    %min3A = arith.minsi %arg0, %sub3A_2 : i32
    %c0_i32 = arith.constant 0 : i32
    %c0_i32_3 = arith.constant 0 : i32
    return %min3A, %c0_i32 : i32, i32
  }
  func.func @transform_2(%arg0: i32, %arg1: memref<8x128xi32, #tpu.memory_space<smem>>) -> (i32, i32) {
    %c0_i32 = arith.constant 0 : i32
    %c0_i32_0 = arith.constant 0 : i32
    %c0_i32_1 = arith.constant 0 : i32
    return %c0_i32, %c0_i32_0 : i32, i32
  }
  func.func @transform_3(%arg0: i32, %arg1: memref<8x128xi32, #tpu.memory_space<smem>>) -> (i32, i32) {
    %get3A = arith.constant 6 : index
    %get3A_0 = arith.constant 0 : index
    %get3A_1 = memref.load %arg1[%get3A, %get3A_0] : memref<8x128xi32, #tpu.memory_space<smem>>
    %sub3A = arith.constant 1 : i32
    %sub3A_2 = arith.subi %get3A_1, %sub3A : i32
    %min3A = arith.minsi %arg0, %sub3A_2 : i32
    %c0_i32 = arith.constant 0 : i32
    %c0_i32_3 = arith.constant 0 : i32
    return %min3A, %c0_i32 : i32, i32
  }
}

</mosaic_0001>

<sc_bundles>
// kernel: kernel.6.cloned.1.call-start
scs
__scs_entry_jumppad:
0x0: {  	(pc) =	sbr.rel $0x88, $3  }
0x1: {  	(tag) =	ssettag $0x0;
	lr =	simm.s32 $0x1  }
0x2: {  	[smem:$0x3F9C] =	sst lr;
	_ =	strace $0xD0000000  }
0x3: {  	_ = 	snop  }
0x4: {  	_ = 	snop  }
0x5: {  	_ = 	snop  }
0x6: {  	_ = 	snop  }
0x7: {  	_ = 	snop  }
__scs_overlays_trampoline_lowered:
0x8: {  	[smem:$0x3FAB] =	sst s0  }
0x9: {  	[smem:$0x3FAC] =	sst s1  }
0xa: {  	[smem:$0x3FAD] =	sst s2  }
0xb: {  	[smem:$0x3FAE] =	sst s3  }
0xc: {  	[smem:$0x3FAF] =	sst s4  }
0xd: {  	[smem:$0x3FB0] =	sst s5  }
0xe: {  	[smem:$0x3FB1] =	sst s6  }
0xf: {  	[smem:$0x3FB2] =	sst s7  }
0x10: {  	[smem:$0x3FB3] =	sst s8  }
0x11: {  	[smem:$0x3FB4] =	sst s9;
	s0 =	simm.s32 @!p0 $0x0  }
0x12: {  	s1 =	sld [smem:$0x3F9A];
	s0 =	simm.s32 @p0 $0x1  }
0x13: {  	[smem:$0x3FB5] =	sst s0;
	s0 =	simm.s32 @!p1 $0x0  }
0x14: {  	s2 =	sld [smem:$0x3F99];
	s0 =	simm.s32 @p1 $0x1  }
0x15: {  	[smem:$0x3FB6] =	sst s0;
	s0 =	simm.s32 @!p2 $0x0  }
0x16: {  	s3 =	sld [smem:$0x3FDB];
	s0 =	simm.s32 @p2 $0x1  }
0x17: {  	s4 =	simm.s32 $0x1BF5;
	[smem:$0x3FB8] =	sst s0  }
0x18: {  	s0 =	sld [smem:$0x3F9B];
	_ =	swait.ge [sflag:s4], $0x0  }
0x19: {  	s7 =	sld [smem:$0x3F9C]  }
0x1a: {  	s8 =	sadd.s32 $0xFFFFE003, lr  }
0x1b: {  	s9 =	sadd.s32 $0xFFFFFEF7, lr;
	s5 =	simm.s32 $0xFFFFFFFF;
	p2 =	slt.u32 s8, $0xFFFFF086  }
0x1c: {  	p1 =	slt.u32 s9, $0xF7A;
	s5 =	simm.s32 @!p2 $0x0  }
0x1d: {  	s5 =	simm.s32 @p1 $0x1;
	p0 =	seq.s32 s7, s2  }
0x1e: {  	s7 =	smul.u32 @!p0 $0xF7A, s2;
	p2 =	seq.s32 @!p0 s5, $0x0  }
0x1f: {  	s9 =	smul.u32 $0xF7A, s1;
	s8 =	simm.s32 @!p0 $0x1BF5;
	p2 =	por !p2, p0  }
0x20: {  	[sflag:s8] =	ssyncset.s32 @!p0 $0xFFFFF086;
	s6 =	sadd.s32 @!p0 s3, s7;
	s7 =	simm.s32 @!p0 $0x108  }
0x21: {  	s3 =	sadd.s32 s3, s9;
	s6 =	sadd.s32 @!p0 $0x88, s6;
	s7 =	simm.s32 @p2 $0x1082  }
0x22: {  	[simem:s7], [sflag:s8] =	dma.local @!p0 [hbm:s6], $0xF7A  }
0x23: {  	s9 =	sor.u32 $0xD0000000, s2;
	s6 =	simm.s32 $0x108;
	_ =	swait.ge @!p0 [sflag:s8], $0x0  }
0x24: {  	s3 =	sadd.s32 $0x88, s3;
	s6 =	simm.s32 @!p1 $0x1082;
	[sflag:s4] =	ssyncset.s32 $0xFFFFF086  }
0x25: {  	[simem:s6], [sflag:s4] =	dma.local [hbm:s3], $0xF7A  }
0x26: {  	[smem:$0x3F9C] =	sst s1;
	(tag) =	ssettag s2;
	_ =	strace s9  }
0x27: {  	s1 =	sld [smem:$0x3FAC]  }
0x28: {  	s2 =	sld [smem:$0x3FAD]  }
0x29: {  	s4 =	sld [smem:$0x3FAF]  }
0x2a: {  	p0 =	seq.s32 s5, $0x0;
	s5 =	sld [smem:$0x3FB0]  }
0x2b: {  	s6 =	sld [smem:$0x3FB1]  }
0x2c: {  	s7 =	sld [smem:$0x3FB2]  }
0x2d: {  	s3 =	simm.s32 $0x108;
	s8 =	sld [smem:$0x3FB3]  }
0x2e: {  	s3 =	simm.s32 @!p0 $0x1082;
	s9 =	sld [smem:$0x3FB4]  }
0x2f: {  	lr =	sadd.s32 s0, s3;
	s0 =	sld [smem:$0x3FAB]  }
0x30: {  	s3 =	sld [smem:$0x3FAE]  }
0x31: {  	[smem:$0x3FB7] =	sst s10  }
0x32: {  	s10 =	sld [smem:$0x3FB5];
	_ =	sdelay $0x3  }
0x33: {  	p0 =	seq.s32 s10, $0x1;
	s10 =	sld [smem:$0x3FB7];
	_ =	sdelay $0x3  }
0x34: {  	[smem:$0x3FB7] =	sst s10  }
0x35: {  	s10 =	sld [smem:$0x3FB6];
	_ =	sdelay $0x3  }
0x36: {  	p1 =	seq.s32 s10, $0x1;
	s10 =	sld [smem:$0x3FB7];
	_ =	sdelay $0x3  }
0x37: {  	[smem:$0x3FB7] =	sst s10  }
0x38: {  	s10 =	sld [smem:$0x3FB8]  }
0x39: {  	_ = 	snop;
	(pc) =	sbr.ind lr, $3  }
0x3a: {  	_ = 	snop  }
0x3b: {  	_ = 	snop  }
0x3c: {  	p2 =	seq.s32 s10, $0x1;
	s10 =	sld [smem:$0x3FB7]  }
0x3d: {  	_ =	shalt  }
0x3e: {  	_ =	shalt  }
0x3f: {  	_ =	shalt  }
0x40: {  	_ =	shalt  }
0x41: {  	_ =	shalt  }
0x42: {  	_ =	shalt  }
0x43: {  	_ =	shalt  }
0x44: {  	_ =	shalt  }
0x45: {  	_ =	shalt  }
0x46: {  	_ =	shalt  }
0x47: {  	_ =	shalt  }
0x48: {  	_ =	shalt  }
0x49: {  	_ =	shalt  }
0x4a: {  	_ =	shalt  }
0x4b: {  	_ =	shalt  }
0x4c: {  	_ =	shalt  }
0x4d: {  	_ =	shalt  }
0x4e: {  	_ =	shalt  }
0x4f: {  	_ =	shalt  }
0x50: {  	_ =	shalt  }
0x51: {  	_ =	shalt  }
0x52: {  	_ =	shalt  }
0x53: {  	_ =	shalt  }
0x54: {  	_ =	shalt  }
0x55: {  	_ =	shalt  }
0x56: {  	_ =	shalt  }
0x57: {  	_ =	shalt  }
0x58: {  	_ =	shalt  }
0x59: {  	_ =	shalt  }
0x5a: {  	_ =	shalt  }
0x5b: {  	_ =	shalt  }
0x5c: {  	_ =	shalt  }
0x5d: {  	_ =	shalt  }
0x5e: {  	_ =	shalt  }
0x5f: {  	_ =	shalt  }
0x60: {  	_ =	shalt  }
0x61: {  	_ =	shalt  }
0x62: {  	_ =	shalt  }
0x63: {  	_ =	shalt  }
0x64: {  	_ =	shalt  }
0x65: {  	_ =	shalt  }
0x66: {  	_ =	shalt  }
0x67: {  	_ =	shalt  }
0x68: {  	_ =	shalt  }
0x69: {  	_ =	shalt  }
0x6a: {  	_ =	shalt  }
0x6b: {  	_ =	shalt  }
0x6c: {  	_ =	shalt  }
0x6d: {  	_ =	shalt  }
0x6e: {  	_ =	shalt  }
0x6f: {  	_ =	shalt  }
0x70: {  	_ =	shalt  }
0x71: {  	_ =	shalt  }
0x72: {  	_ =	shalt  }
0x73: {  	_ =	shalt  }
0x74: {  	_ =	shalt  }
0x75: {  	_ =	shalt  }
0x76: {  	_ =	shalt  }
0x77: {  	_ =	shalt  }
0x78: {  	_ =	shalt  }
0x79: {  	_ =	shalt  }
0x7a: {  	_ =	shalt  }
0x7b: {  	_ =	shalt  }
0x7c: {  	_ =	shalt  }
0x7d: {  	_ =	shalt  }
0x7e: {  	_ =	shalt  }
0x7f: {  	_ =	shalt  }
0x80: {  	_ =	shalt  }
0x81: {  	_ =	shalt  }
0x82: {  	_ =	shalt  }
0x83: {  	_ =	shalt  }
0x84: {  	_ =	shalt  }
0x85: {  	_ =	shalt  }
0x86: {  	_ =	shalt  }
0x87: {  	_ =	shalt  }
.Lfunc_end0:
.L_simem_size_0:
called_computation_lowered:
.L_overlay_start_0:
0x88: {  	s2 =	sld [smem:$0x3FD9]  }
0x89: {  	s3 =	sld [smem:$0x3FFE];
	_ =	sdelay $0x1  }
0x8a: {  	s1 =	srdreg.scid  }
0x8b: {  	s0 =	sand.u32 $0x1, s1  }
0x8c: {  	s16 =	sshll.u32 s0, $0xA;
	s2 =	sadd.s32 s3, s2  }
0x8d: {  	s2 =	sadd.s32 s2, s16  }
0x8e: {  	[smem:$0x3FC3] =	sst s2  }
0x8f: {  	_ = 	snop  }
0x90: {  	(tm) =	ssettm $0x1  }
0x91: {  	s17 =	sld [smem:$0x3FFB];
	_ =	sdelay $0x3  }
0x92: {  	_ =	strace s17  }
0x93: {  	s2 =	sld [smem:$0x3FFC];
	_ =	sdelay $0x3  }
0x94: {  	_ =	strace s2  }
0x95: {  	s2 =	sld [smem:$0x3FFD];
	_ =	sdelay $0x3  }
0x96: {  	_ =	strace s2  }
0x97: {  	_ =	strace $0x8FFFFFFF  }
0x98: {  	s18 =	sld [smem:$0x3FDB];
	_ =	sdelay $0x1  }
0x99: {  	s19 =	simm.s32 $_scs_section_size  }
0x9a: {  	s4 =	simm.s32 $_size__tile_overlayer_lowered;
	s5 =	simm.s32 $_tile_overlayer_lowered  }
0x9b: {  	s22 =	simm.s32 $0x1BFF;
	s21 =	sshll.u32 s5, $0x1;
	s2 =	sadd.s32 s19, s18  }
0x9c: {  	s6 =	simm.s32 $0x0;
	s20 =	sshll.u32 s4, $0x1;
	s4 =	sadd.s32 s21, s2  }
0x9d: {  	[timem:s6], [sflag:s22] =	dma.local [hbm:s4], s20  }
0x9e: {  	_ =	swait.ge [sflag:s22], s20  }
0x9f: {  	s3 =	ssub.s32 $0x0, s20;
	[sflag:s22] =	ssyncset.done $0x0  }
0xa0: {  	[sflag:s22] =	ssyncadd.s32 s3;
	_ =	sdelay $0x1  }
0xa1: {  	s23 =	simm.s32 $0x1B8B  }
0xa2: {  	_ =	swait.ge [sflag:s23], $0x1  }
0xa3: {  	[sflag:s23] =	ssyncset.done $0x0  }
0xa4: {  	s25 =	simm.s32 $0x1B8E;
	s24 =	sld [smem:$0x3FFE];
	[sflag:s23] =	ssyncadd.s32 $0xFFFFFFFF  }
0xa5: {  	s26 =	simm.s32 $execute0_lowered;
	[smem:$0x3FD2] =	sst s25  }
0xa6: {  	s4 =	sshll.u32 s26, $0x1;
	_ =	strace $0x80000046;
	[dreg:$0x1] =	wrdreg $0xFFFFFFFF  }
0xa7: {  	s28 =	simm.s32 $_size_execute0_lowered;
	s2 =	sadd.s32 s2, s4;
	[dreg:$0x0] =	wrdreg $0x0  }
0xa8: {  	s4 =	sshll.u32 s28, $0x1;
	[dreg:$0x2] =	wrdreg s2  }
0xa9: {  	[dreg:$0x3] =	wrdreg s4  }
0xaa: {  	[dreg:$0x4] =	wrdreg $0xC0  }
0xab: {  	_ =	task [dreg:s6], $0x5FFFF  }
0xac: {  	[dreg:$0x1] =	wrdreg $0xFFFFFFFF  }
0xad: {  	[dreg:$0x0] =	wrdreg $0x60  }
0xae: {  	[dreg:$0x2] =	wrdreg s24  }
0xaf: {  	[dreg:$0x3] =	wrdreg $0x9  }
0xb0: {  	_ =	task.clear_ibuf [dreg:s6], $0x4FFFF;
	_ =	strace $0x90000046  }
0xb1: {  	s29 =	simm.s32 $0x9;
	_ =	strace $0x80000048  }
0xb2: {  	_ =	swait.ge [sflag:s29], $0x1  }
0xb3: {  	[sflag:s29] =	ssyncadd.s32 $0xFFFFFFFF  }
0xb4: {  	_ =	strace $0x90000048  }
0xb5: {  	_ =	sfence  }
0xb6: {  	s30 =	sld [smem:$0x0];
	_ =	sdelay $0x2  }
0xb7: {  	s31 =	sshll.u32 s1, $0xD;
	s1 =	sshrl.u32 s1, $0x2  }
0xb8: {  	s3 =	sand.u32 $0x4000, s31;
	s1 =	sadd.s32 s1, s30  }
0xb9: {  	s0 =	sor.u32 s3, s0;
	s1 =	sshll.u32 s1, $0x11  }
0xba: {  	s0 =	sor.u32 s1, s0  }
0xbb: {  	s0 =	sadd.s32 $0x8F2B, s0  }
0xbc: {  	[sflag:s0] =	ssyncadd.remote.s32 $0x1  }
0xbd: {  	_ =	sfence.sel $0xFFFF  }
0xbe: {  	[dreg:$0x0] =	wrdreg $0xFFFFFFFF;
	(pc) =	sbr.abs _section_cstart, $3  }
0xbf: {  	[dreg:$0x1] =	wrdreg $0xFFFFFFFF  }
0xc0: {  	_ =	task.clear_ibuf [dreg:s6], $0x2FFFF;
	_ =	strace $0x9FFFFFFF  }
0xc1: {  	(tm) =	ssettm $0x7FFFFFFF  }
tec
execute0_lowered:
.L_overlay_start_1:
0x0: {  	(tag) =	ssettag $0x1  }
0x1: {  	s0 =	rddreg [dreg:$0x0];
	s1 =	srdreg.scid;
	s2 =	simm.s32 $0x0  }
0x2: {  	s3 =	stileid.u32;
	s24 =	simm.s32 $0x80;
	s25 =	simm.s32 $0x100  }
0x3: {  	s13 =	simm.s32 $0x5;
	s26 =	simm.s32 $0x180;
	s11 =	simm.s32 $0x200  }
0x4: {  	s12 =	simm.s32 $0x9200;
	s14 =	simm.s32 $0xA200;
	s15 =	simm.s32 $0xAA00  }
0x5: {  	s28 =	simm.s32 $0xFA00;
	s29 =	simm.s32 $0xFE00;
	s30 =	simm.s32 $0x10600  }
0x6: {  	s31 =	simm.s32 $0x10E00;
	s1 =	sand.u32 $0x1, s1;
	[smem:$0x7FF] =	sst s2  }
0x7: {  	s3 =	sshll.u32 s3, $0x5;
	_ =	strace $0x80000047;
	[dreg:$0xa] =	wrdreg s24  }
0x8: {  	s5 =	sadd.s32 $0xB5400, s0;
	s7 =	sadd.s32 $0x1400, s0;
	[dreg:$0xb] =	wrdreg s25  }
0x9: {  	s4 =	sshll.u32 s1, $0x4;
	s1 =	ssub.s32 $0x2, s1;
	[dreg:$0xc] =	wrdreg s26  }
0xa: {  	s24 =	simm.s32 $0xE200;
	s25 =	simm.s32 $0xEA00;
	s26 =	simm.s32 $0xF200  }
0xb: {  	s4 =	sor.u32 s4, s3;
	s3 =	sadd.s32 $0xB5800, s0;
	s20 =	sshrl.u32 s1, $0x1  }
0xc: {  	s6 =	sadd.s32 s5, s4;
	s8 =	sor.u32 $0x4, s4;
	s19 =	sor.u32 $0x8, s4  }
0xd: {  	s10 =	sor.u32 $0xC, s4;
	s4 =	smul.u32 $0x480, s4;
	s1 =	ssub.s32 s1, s20  }
0xe: {  	s20 =	simm.s32 $0xC600;
	[dreg:$0x2] =	wrdreg s6;
	s18 =	sadd.s32 s5, s8  }
0xf: {  	s9 =	sadd.s32 s5, s19;
	s8 =	smul.u32 $0x480, s8;
	[dreg:$0x3] =	wrdreg s18  }
0x10: {  	s5 =	sadd.s32 s5, s10;
	s6 =	smul.u32 $0x480, s19;
	[dreg:$0x4] =	wrdreg s9  }
0x11: {  	s22 =	smul.u32 $0x480, s10;
	s19 =	simm.s32 $0xBE00;
	[dreg:$0x5] =	wrdreg s5  }
0x12: {  	s4 =	sadd.s32 s7, s4;
	s5 =	sadd.s32 $0xB5A00, s0;
	s9 =	simm.s32 $0x2  }
0x13: {  	s18 =	simm.s32 $0xB600;
	[dreg:$0x6] =	wrdreg s4;
	s21 =	sadd.s32 s7, s8  }
0x14: {  	s4 =	sadd.s32 $0xB5900, s0;
	s23 =	sadd.s32 s7, s6;
	[dreg:$0x7] =	wrdreg s21  }
0x15: {  	v2 =	vlaneseq.u32;
	s6 =	sadd.s32 $0xB5B00, s0;
	s8 =	sadd.s32 s7, s22;
	[dreg:$0x8] =	wrdreg s23  }
0x16: {  	vm0 =	vmmov $0xffff;
	vm1 =	vmmov $0xff;
	v1 =	vshrl.u32 v2, $0x3;
	s7 =	sadd.s32 $0xB5C00, s0;
	s22 =	simm.s32 $0xD600;
	[dreg:$0x9] =	wrdreg s8  }
0x17: {  	v0 =	vand.u32 $0x7, v2;
	v2 =	vor.u32 $0x8, v2;
	v1 =	vmul.u32 $0x8, v1;
	s8 =	smax.u32 s1, $0x1;
	s21 =	simm.s32 $0xCE00;
	s23 =	simm.s32 $0xDA00  }
.LBB2_1:
0x18: {  	s16 =	rddreg [dreg:$0x2]  }
0x19: {  	[tilespmem:s2], [sflag:$0x5] =	stream.linear.gather [hbm4b:s16+s2], $0x20, $0x38;
	[tilespmem:$0x12200] =	vst v63  }
0x1a: {  	_ =	swait.ge [sflag:s13], $0x20  }
0x1b: {  	s10 =	rddreg [dreg:$0x3];
	[sflag:s13] =	ssyncset.done $0x0  }
0x1c: {  	s17 =	rddreg [dreg:$0xa];
	[sflag:s13] =	ssyncadd.s32 $0xFFFFFFE0  }
0x1d: {  	[tilespmem:s17], [sflag:$0x5] =	stream.linear.gather [hbm4b:s10+s2], $0x20, $0x38;
	[tilespmem:$0x12200] =	vst v63  }
0x1e: {  	_ =	swait.ge [sflag:s13], $0x20  }
0x1f: {  	s17 =	rddreg [dreg:$0x4];
	[sflag:s13] =	ssyncset.done $0x0  }
0x20: {  	s0 =	rddreg [dreg:$0xb];
	[sflag:s13] =	ssyncadd.s32 $0xFFFFFFE0  }
0x21: {  	[tilespmem:s0], [sflag:$0x5] =	stream.linear.gather [hbm4b:s17+s2], $0x20, $0x38;
	[tilespmem:$0x12200] =	vst v63  }
0x22: {  	_ =	swait.ge [sflag:s13], $0x20  }
0x23: {  	s1 =	rddreg [dreg:$0x5];
	[sflag:s13] =	ssyncset.done $0x0  }
0x24: {  	s10 =	rddreg [dreg:$0xc];
	[sflag:s13] =	ssyncadd.s32 $0xFFFFFFE0  }
0x25: {  	[tilespmem:s10], [sflag:$0x5] =	stream.linear.gather [hbm4b:s1+s2], $0x20, $0x38;
	[tilespmem:$0x12200] =	vst v63  }
0x26: {  	_ =	swait.ge [sflag:s13], $0x20  }
0x27: {  	[sflag:s13] =	ssyncset.done $0x0  }
0x28: {  	s0 =	rddreg [dreg:$0x6];
	[sflag:s13] =	ssyncadd.s32 $0xFFFFFFE0  }
0x29: {  	[tilespmem:s11], [sflag:$0x1] =	stream.linear.gather [hbm4b:s0+s2], $0x9000, $0x38;
	[tilespmem:$0x12200] =	vst v63  }
0x2a: {  	s1 =	rddreg [dreg:$0x7]  }
0x2b: {  	[tilespmem:s12], [sflag:$0x2] =	stream.linear.gather [hbm4b:s1+s2], $0x9000, $0x38;
	[tilespmem:$0x12200] =	vst v63  }
0x2c: {  	s1 =	simm.s32 $0x1  }
0x2d: {  	_ =	swait.ge [sflag:s1], $0x9000  }
0x2e: {  	[sflag:s1] =	ssyncset.done $0x0  }
0x2f: {  	[sflag:s1] =	ssyncadd.s32 $0xFFFF7000  }
0x30: {  	v3 =	vld [tilespmem:$0x0];
	_ =	sdelay $0x4  }
0x31: {  	v4 =	vshrl.u32 v3, $0x3  }
0x32: {  	v4 =	vmul.u32 $0x48, v4  }
0x33: {  	v3 =	vand.u32 $0x7, v3  }
0x34: {  	v3 =	vor.u32 v3, v4  }
0x35: {  	v4 =	vperm.xlane v3, v0;
	_ =	sdelay $0x1  }
0x36: {  	v4 =	vadd.s32 v1, v4;
	_ =	sdelay $0x4  }
0x37: {  	[hbm4b:s3+s2] =	stream.indirect_vreg.scatter [tilespmem:s11], [sflag:$0x3], $0x80, v4, vm0, $0xb8;
	[tilespmem:$0x12200] =	vst v63  }
0x38: {  	s0 =	simm.s32 $0xA00  }
0x39: {  	[hbm4b:s4+s2] =	stream.indirect_vreg.scatter [tilespmem:s0], [sflag:$0x3], $0x80, v4, vm0, $0xb8;
	[tilespmem:$0x12200] =	vst v63  }
0x3a: {  	s10 =	simm.s32 $0x1200;
	v3 =	vperm.xlane v3, v2  }
0x3b: {  	[hbm4b:s5+s2] =	stream.indirect_vreg.scatter [tilespmem:s10], [sflag:$0x3], $0x80, v4, vm0, $0xb8;
	[tilespmem:$0x12200] =	vst v63  }
0x3c: {  	s16 =	simm.s32 $0x1A00;
	v3 =	vadd.s32 v1, v3  }
0x3d: {  	[hbm4b:s6+s2] =	stream.indirect_vreg.scatter [tilespmem:s16], [sflag:$0x3], $0x80, v4, vm0, $0xb8;
	[tilespmem:$0x12200] =	vst v63  }
0x3e: {  	s17 =	simm.s32 $0x2200  }
0x3f: {  	[hbm4b:s7+s2] =	stream.indirect_vreg.scatter [tilespmem:s17], [sflag:$0x3], $0x80, v4, vm1, $0xb8;
	[tilespmem:$0x12200] =	vst v63  }
0x40: {  	s10 =	simm.s32 $0x2600  }
0x41: {  	[hbm4b:s3+s2] =	stream.indirect_vreg.scatter [tilespmem:s10], [sflag:$0x3], $0x80, v3, vm0, $0xb8;
	[tilespmem:$0x12200] =	vst v63  }
0x42: {  	s16 =	simm.s32 $0x2E00  }
0x43: {  	[hbm4b:s4+s2] =	stream.indirect_vreg.scatter [tilespmem:s16], [sflag:$0x3], $0x80, v3, vm0, $0xb8;
	[tilespmem:$0x12200] =	vst v63  }
0x44: {  	s17 =	simm.s32 $0x3600  }
0x45: {  	[hbm4b:s5+s2] =	stream.indirect_vreg.scatter [tilespmem:s17], [sflag:$0x3], $0x80, v3, vm0, $0xb8;
	[tilespmem:$0x12200] =	vst v63  }
0x46: {  	s10 =	simm.s32 $0x3E00  }
0x47: {  	[hbm4b:s6+s2] =	stream.indirect_vreg.scatter [tilespmem:s10], [sflag:$0x3], $0x80, v3, vm0, $0xb8;
	[tilespmem:$0x12200] =	vst v63  }
0x48: {  	s16 =	simm.s32 $0x4600  }
0x49: {  	[hbm4b:s7+s2] =	stream.indirect_vreg.scatter [tilespmem:s16], [sflag:$0x3], $0x80, v3, vm1, $0xb8;
	[tilespmem:$0x12200] =	vst v63  }
0x4a: {  	v3 =	vld [tilespmem:$0x10];
	_ =	sdelay $0x4  }
0x4b: {  	v57 =	vshrl.u32 v3, $0x3  }
0x4c: {  	v4 =	vmul.u32 $0x48, v57  }
0x4d: {  	v3 =	vand.u32 $0x7, v3  }
0x4e: {  	v3 =	vor.u32 v3, v4  }
0x4f: {  	v4 =	vperm.xlane v3, v0;
	_ =	sdelay $0x1  }
0x50: {  	v4 =	vadd.s32 v1, v4;
	_ =	sdelay $0x3  }
0x51: {  	s17 =	simm.s32 $0x4A00  }
0x52: {  	[hbm4b:s3+s2] =	stream.indirect_vreg.scatter [tilespmem:s17], [sflag:$0x3], $0x80, v4, vm0, $0xb8;
	[tilespmem:$0x12200] =	vst v63  }
0x53: {  	s10 =	simm.s32 $0x5200  }
0x54: {  	[hbm4b:s4+s2] =	stream.indirect_vreg.scatter [tilespmem:s10], [sflag:$0x3], $0x80, v4, vm0, $0xb8;
	[tilespmem:$0x12200] =	vst v63  }
0x55: {  	s16 =	simm.s32 $0x5A00;
	v3 =	vperm.xlane v3, v2  }
0x56: {  	[hbm4b:s5+s2] =	stream.indirect_vreg.scatter [tilespmem:s16], [sflag:$0x3], $0x80, v4, vm0, $0xb8;
	[tilespmem:$0x12200] =	vst v63  }
0x57: {  	v3 =	vadd.s32 v1, v3;
	s17 =	simm.s32 $0x6200  }
0x58: {  	[hbm4b:s6+s2] =	stream.indirect_vreg.scatter [tilespmem:s17], [sflag:$0x3], $0x80, v4, vm0, $0xb8;
	[tilespmem:$0x12200] =	vst v63  }
0x59: {  	s10 =	simm.s32 $0x6A00  }
0x5a: {  	[hbm4b:s7+s2] =	stream.indirect_vreg.scatter [tilespmem:s10], [sflag:$0x3], $0x80, v4, vm1, $0xb8;
	[tilespmem:$0x12200] =	vst v63  }
0x5b: {  	s16 =	simm.s32 $0x6E00  }
0x5c: {  	[hbm4b:s3+s2] =	stream.indirect_vreg.scatter [tilespmem:s16], [sflag:$0x3], $0x80, v3, vm0, $0xb8;
	[tilespmem:$0x12200] =	vst v63  }
0x5d: {  	s17 =	simm.s32 $0x7600  }
0x5e: {  	[hbm4b:s4+s2] =	stream.indirect_vreg.scatter [tilespmem:s17], [sflag:$0x3], $0x80, v3, vm0, $0xb8;
	[tilespmem:$0x12200] =	vst v63  }
0x5f: {  	s10 =	simm.s32 $0x7E00  }
0x60: {  	[hbm4b:s5+s2] =	stream.indirect_vreg.scatter [tilespmem:s10], [sflag:$0x3], $0x80, v3, vm0, $0xb8;
	[tilespmem:$0x12200] =	vst v63  }
0x61: {  	s16 =	simm.s32 $0x8600  }
0x62: {  	[hbm4b:s6+s2] =	stream.indirect_vreg.scatter [tilespmem:s16], [sflag:$0x3], $0x80, v3, vm0, $0xb8;
	[tilespmem:$0x12200] =	vst v63  }
0x63: {  	s0 =	simm.s32 $0x3;
	s17 =	simm.s32 $0x8E00  }
0x64: {  	[hbm4b:s7+s2] =	stream.indirect_vreg.scatter [tilespmem:s17], [sflag:$0x3], $0x80, v3, vm1, $0xb8;
	[tilespmem:$0x12200] =	vst v63  }
0x65: {  	_ =	swait.ge [sflag:s0], $0x9000  }
0x66: {  	[sflag:s0] =	ssyncset.done $0x0  }
0x67: {  	s10 =	rddreg [dreg:$0x8];
	[sflag:s0] =	ssyncadd.s32 $0xFFFF7000  }
0x68: {  	[tilespmem:s11], [sflag:$0x1] =	stream.linear.gather [hbm4b:s10+s2], $0x9000, $0x38;
	[tilespmem:$0x12200] =	vst v63  }
0x69: {  	_ =	swait.ge [sflag:s9], $0x9000  }
0x6a: {  	[sflag:s9] =	ssyncset.done $0x0  }
0x6b: {  	[sflag:s9] =	ssyncadd.s32 $0xFFFF7000  }
0x6c: {  	v3 =	vld [tilespmem:$0x80];
	_ =	sdelay $0x4  }
0x6d: {  	v58 =	vshrl.u32 v3, $0x3  }
0x6e: {  	v4 =	vmul.u32 $0x48, v58  }
0x6f: {  	v3 =	vand.u32 $0x7, v3  }
0x70: {  	v3 =	vor.u32 v3, v4  }
0x71: {  	v4 =	vperm.xlane v3, v0;
	_ =	sdelay $0x1  }
0x72: {  	v4 =	vadd.s32 v1, v4;
	_ =	sdelay $0x4  }
0x73: {  	[hbm4b:s3+s2] =	stream.indirect_vreg.scatter [tilespmem:s12], [sflag:$0x4], $0x80, v4, vm0, $0xb8;
	[tilespmem:$0x12200] =	vst v63  }
0x74: {  	s10 =	simm.s32 $0x9A00  }
0x75: {  	[hbm4b:s4+s2] =	stream.indirect_vreg.scatter [tilespmem:s10], [sflag:$0x4], $0x80, v4, vm0, $0xb8;
	[tilespmem:$0x12200] =	vst v63  }
0x76: {  	v3 =	vperm.xlane v3, v2  }
0x77: {  	[hbm4b:s5+s2] =	stream.indirect_vreg.scatter [tilespmem:s14], [sflag:$0x4], $0x80, v4, vm0, $0xb8;
	[tilespmem:$0x12200] =	vst v63  }
0x78: {  	v3 =	vadd.s32 v1, v3  }
0x79: {  	[hbm4b:s6+s2] =	stream.indirect_vreg.scatter [tilespmem:s15], [sflag:$0x4], $0x80, v4, vm0, $0xb8;
	[tilespmem:$0x12200] =	vst v63  }
0x7a: {  	s17 =	simm.s32 $0xB200  }
0x7b: {  	[hbm4b:s7+s2] =	stream.indirect_vreg.scatter [tilespmem:s17], [sflag:$0x4], $0x80, v4, vm1, $0xb8;
	[tilespmem:$0x12200] =	vst v63  }
0x7c: {  	_ = 	snop  }
0x7d: {  	[hbm4b:s3+s2] =	stream.indirect_vreg.scatter [tilespmem:s18], [sflag:$0x4], $0x80, v3, vm0, $0xb8;
	[tilespmem:$0x12200] =	vst v63  }
0x7e: {  	_ = 	snop  }
0x7f: {  	[hbm4b:s4+s2] =	stream.indirect_vreg.scatter [tilespmem:s19], [sflag:$0x4], $0x80, v3, vm0, $0xb8;
	[tilespmem:$0x12200] =	vst v63  }
0x80: {  	_ = 	snop  }
0x81: {  	[hbm4b:s5+s2] =	stream.indirect_vreg.scatter [tilespmem:s20], [sflag:$0x4], $0x80, v3, vm0, $0xb8;
	[tilespmem:$0x12200] =	vst v63  }
0x82: {  	_ = 	snop  }
0x83: {  	[hbm4b:s6+s2] =	stream.indirect_vreg.scatter [tilespmem:s21], [sflag:$0x4], $0x80, v3, vm0, $0xb8;
	[tilespmem:$0x12200] =	vst v63  }
0x84: {  	_ = 	snop  }
0x85: {  	[hbm4b:s7+s2] =	stream.indirect_vreg.scatter [tilespmem:s22], [sflag:$0x4], $0x80, v3, vm1, $0xb8;
	[tilespmem:$0x12200] =	vst v63  }
0x86: {  	v3 =	vld [tilespmem:$0x90];
	_ =	sdelay $0x4  }
0x87: {  	v59 =	vshrl.u32 v3, $0x3  }
0x88: {  	v4 =	vmul.u32 $0x48, v59  }
0x89: {  	v3 =	vand.u32 $0x7, v3  }
0x8a: {  	v3 =	vor.u32 v3, v4  }
0x8b: {  	v4 =	vperm.xlane v3, v0;
	_ =	sdelay $0x1  }
0x8c: {  	v4 =	vadd.s32 v1, v4;
	_ =	sdelay $0x4  }
0x8d: {  	[hbm4b:s3+s2] =	stream.indirect_vreg.scatter [tilespmem:s23], [sflag:$0x4], $0x80, v4, vm0, $0xb8;
	[tilespmem:$0x12200] =	vst v63  }
0x8e: {  	_ = 	snop  }
0x8f: {  	[hbm4b:s4+s2] =	stream.indirect_vreg.scatter [tilespmem:s24], [sflag:$0x4], $0x80, v4, vm0, $0xb8;
	[tilespmem:$0x12200] =	vst v63  }
0x90: {  	v3 =	vperm.xlane v3, v2  }
0x91: {  	[hbm4b:s5+s2] =	stream.indirect_vreg.scatter [tilespmem:s25], [sflag:$0x4], $0x80, v4, vm0, $0xb8;
	[tilespmem:$0x12200] =	vst v63  }
0x92: {  	v3 =	vadd.s32 v1, v3  }
0x93: {  	[hbm4b:s6+s2] =	stream.indirect_vreg.scatter [tilespmem:s26], [sflag:$0x4], $0x80, v4, vm0, $0xb8;
	[tilespmem:$0x12200] =	vst v63  }
0x94: {  	_ = 	snop  }
0x95: {  	[hbm4b:s7+s2] =	stream.indirect_vreg.scatter [tilespmem:s28], [sflag:$0x4], $0x80, v4, vm1, $0xb8;
	[tilespmem:$0x12200] =	vst v63  }
0x96: {  	_ = 	snop  }
0x97: {  	[hbm4b:s3+s2] =	stream.indirect_vreg.scatter [tilespmem:s29], [sflag:$0x4], $0x80, v3, vm0, $0xb8;
	[tilespmem:$0x12200] =	vst v63  }
0x98: {  	_ = 	snop  }
0x99: {  	[hbm4b:s4+s2] =	stream.indirect_vreg.scatter [tilespmem:s30], [sflag:$0x4], $0x80, v3, vm0, $0xb8;
	[tilespmem:$0x12200] =	vst v63  }
0x9a: {  	_ = 	snop  }
0x9b: {  	[hbm4b:s5+s2] =	stream.indirect_vreg.scatter [tilespmem:s31], [sflag:$0x4], $0x80, v3, vm0, $0xb8;
	[tilespmem:$0x12200] =	vst v63  }
0x9c: {  	s16 =	simm.s32 $0x11600  }
0x9d: {  	[hbm4b:s6+s2] =	stream.indirect_vreg.scatter [tilespmem:s16], [sflag:$0x4], $0x80, v3, vm0, $0xb8;
	[tilespmem:$0x12200] =	vst v63  }
0x9e: {  	s10 =	simm.s32 $0x4;
	s16 =	simm.s32 $0x11E00  }
0x9f: {  	[hbm4b:s7+s2] =	stream.indirect_vreg.scatter [tilespmem:s16], [sflag:$0x4], $0x80, v3, vm1, $0xb8;
	[tilespmem:$0x12200] =	vst v63  }
0xa0: {  	_ =	swait.ge [sflag:s10], $0x9000  }
0xa1: {  	[sflag:s10] =	ssyncset.done $0x0  }
0xa2: {  	s16 =	rddreg [dreg:$0x9];
	[sflag:s10] =	ssyncadd.s32 $0xFFFF7000  }
0xa3: {  	[tilespmem:s12], [sflag:$0x2] =	stream.linear.gather [hbm4b:s16+s2], $0x9000, $0x38;
	[tilespmem:$0x12200] =	vst v63  }
0xa4: {  	_ =	swait.ge [sflag:s1], $0x9000  }
0xa5: {  	[sflag:s1] =	ssyncset.done $0x0  }
0xa6: {  	[sflag:s1] =	ssyncadd.s32 $0xFFFF7000  }
0xa7: {  	v3 =	vld [tilespmem:$0x100];
	_ =	sdelay $0x4  }
0xa8: {  	v60 =	vshrl.u32 v3, $0x3  }
0xa9: {  	v4 =	vmul.u32 $0x48, v60  }
0xaa: {  	v3 =	vand.u32 $0x7, v3  }
0xab: {  	v3 =	vor.u32 v3, v4  }
0xac: {  	v4 =	vperm.xlane v3, v0;
	_ =	sdelay $0x1  }
0xad: {  	v4 =	vadd.s32 v1, v4;
	_ =	sdelay $0x4  }
0xae: {  	[hbm4b:s3+s2] =	stream.indirect_vreg.scatter [tilespmem:s11], [sflag:$0x3], $0x80, v4, vm0, $0xb8;
	[tilespmem:$0x12200] =	vst v63  }
0xaf: {  	s16 =	simm.s32 $0xA00  }
0xb0: {  	[hbm4b:s4+s2] =	stream.indirect_vreg.scatter [tilespmem:s16], [sflag:$0x3], $0x80, v4, vm0, $0xb8;
	[tilespmem:$0x12200] =	vst v63  }
0xb1: {  	v3 =	vperm.xlane v3, v2;
	s16 =	simm.s32 $0x1200  }
0xb2: {  	[hbm4b:s5+s2] =	stream.indirect_vreg.scatter [tilespmem:s16], [sflag:$0x3], $0x80, v4, vm0, $0xb8;
	[tilespmem:$0x12200] =	vst v63  }
0xb3: {  	v3 =	vadd.s32 v1, v3;
	s16 =	simm.s32 $0x1A00  }
0xb4: {  	[hbm4b:s6+s2] =	stream.indirect_vreg.scatter [tilespmem:s16], [sflag:$0x3], $0x80, v4, vm0, $0xb8;
	[tilespmem:$0x12200] =	vst v63  }
0xb5: {  	s16 =	simm.s32 $0x2200  }
0xb6: {  	[hbm4b:s7+s2] =	stream.indirect_vreg.scatter [tilespmem:s16], [sflag:$0x3], $0x80, v4, vm1, $0xb8;
	[tilespmem:$0x12200] =	vst v63  }
0xb7: {  	s16 =	simm.s32 $0x2600  }
0xb8: {  	[hbm4b:s3+s2] =	stream.indirect_vreg.scatter [tilespmem:s16], [sflag:$0x3], $0x80, v3, vm0, $0xb8;
	[tilespmem:$0x12200] =	vst v63  }
0xb9: {  	s16 =	simm.s32 $0x2E00  }
0xba: {  	[hbm4b:s4+s2] =	stream.indirect_vreg.scatter [tilespmem:s16], [sflag:$0x3], $0x80, v3, vm0, $0xb8;
	[tilespmem:$0x12200] =	vst v63  }
0xbb: {  	s16 =	simm.s32 $0x3600  }
0xbc: {  	[hbm4b:s5+s2] =	stream.indirect_vreg.scatter [tilespmem:s16], [sflag:$0x3], $0x80, v3, vm0, $0xb8;
	[tilespmem:$0x12200] =	vst v63  }
0xbd: {  	s16 =	simm.s32 $0x3E00  }
0xbe: {  	[hbm4b:s6+s2] =	stream.indirect_vreg.scatter [tilespmem:s16], [sflag:$0x3], $0x80, v3, vm0, $0xb8;
	[tilespmem:$0x12200] =	vst v63  }
0xbf: {  	s16 =	simm.s32 $0x4600  }
0xc0: {  	[hbm4b:s7+s2] =	stream.indirect_vreg.scatter [tilespmem:s16], [sflag:$0x3], $0x80, v3, vm1, $0xb8;
	[tilespmem:$0x12200] =	vst v63  }
0xc1: {  	v3 =	vld [tilespmem:$0x110];
	_ =	sdelay $0x4  }
0xc2: {  	v61 =	vshrl.u32 v3, $0x3  }
0xc3: {  	v4 =	vmul.u32 $0x48, v61  }
0xc4: {  	v3 =	vand.u32 $0x7, v3  }
0xc5: {  	v3 =	vor.u32 v3, v4  }
0xc6: {  	v4 =	vperm.xlane v3, v0;
	_ =	sdelay $0x1  }
0xc7: {  	v4 =	vadd.s32 v1, v4;
	_ =	sdelay $0x3  }
0xc8: {  	s16 =	simm.s32 $0x4A00  }
0xc9: {  	[hbm4b:s3+s2] =	stream.indirect_vreg.scatter [tilespmem:s16], [sflag:$0x3], $0x80, v4, vm0, $0xb8;
	[tilespmem:$0x12200] =	vst v63  }
0xca: {  	s16 =	simm.s32 $0x5200  }
0xcb: {  	[hbm4b:s4+s2] =	stream.indirect_vreg.scatter [tilespmem:s16], [sflag:$0x3], $0x80, v4, vm0, $0xb8;
	[tilespmem:$0x12200] =	vst v63  }
0xcc: {  	v3 =	vperm.xlane v3, v2;
	s16 =	simm.s32 $0x5A00  }
0xcd: {  	[hbm4b:s5+s2] =	stream.indirect_vreg.scatter [tilespmem:s16], [sflag:$0x3], $0x80, v4, vm0, $0xb8;
	[tilespmem:$0x12200] =	vst v63  }
0xce: {  	v3 =	vadd.s32 v1, v3;
	s16 =	simm.s32 $0x6200  }
0xcf: {  	[hbm4b:s6+s2] =	stream.indirect_vreg.scatter [tilespmem:s16], [sflag:$0x3], $0x80, v4, vm0, $0xb8;
	[tilespmem:$0x12200] =	vst v63  }
0xd0: {  	s16 =	simm.s32 $0x6A00  }
0xd1: {  	[hbm4b:s7+s2] =	stream.indirect_vreg.scatter [tilespmem:s16], [sflag:$0x3], $0x80, v4, vm1, $0xb8;
	[tilespmem:$0x12200] =	vst v63  }
0xd2: {  	s16 =	simm.s32 $0x6E00  }
0xd3: {  	[hbm4b:s3+s2] =	stream.indirect_vreg.scatter [tilespmem:s16], [sflag:$0x3], $0x80, v3, vm0, $0xb8;
	[tilespmem:$0x12200] =	vst v63  }
0xd4: {  	s16 =	simm.s32 $0x7600  }
0xd5: {  	[hbm4b:s4+s2] =	stream.indirect_vreg.scatter [tilespmem:s16], [sflag:$0x3], $0x80, v3, vm0, $0xb8;
	[tilespmem:$0x12200] =	vst v63  }
0xd6: {  	s16 =	simm.s32 $0x7E00  }
0xd7: {  	[hbm4b:s5+s2] =	stream.indirect_vreg.scatter [tilespmem:s16], [sflag:$0x3], $0x80, v3, vm0, $0xb8;
	[tilespmem:$0x12200] =	vst v63  }
0xd8: {  	s16 =	simm.s32 $0x8600  }
0xd9: {  	[hbm4b:s6+s2] =	stream.indirect_vreg.scatter [tilespmem:s16], [sflag:$0x3], $0x80, v3, vm0, $0xb8;
	[tilespmem:$0x12200] =	vst v63  }
0xda: {  	s16 =	simm.s32 $0x8E00  }
0xdb: {  	[hbm4b:s7+s2] =	stream.indirect_vreg.scatter [tilespmem:s16], [sflag:$0x3], $0x80, v3, vm1, $0xb8;
	[tilespmem:$0x12200] =	vst v63  }
0xdc: {  	_ =	swait.ge [sflag:s0], $0x9000  }
0xdd: {  	[sflag:s0] =	ssyncset.done $0x0  }
0xde: {  	[sflag:s0] =	ssyncadd.s32 $0xFFFF7000  }
0xdf: {  	_ =	swait.ge [sflag:s9], $0x9000  }
0xe0: {  	[sflag:s9] =	ssyncset.done $0x0  }
0xe1: {  	[sflag:s9] =	ssyncadd.s32 $0xFFFF7000  }
0xe2: {  	v3 =	vld [tilespmem:$0x180];
	_ =	sdelay $0x4  }
0xe3: {  	v62 =	vshrl.u32 v3, $0x3  }
0xe4: {  	v4 =	vmul.u32 $0x48, v62  }
0xe5: {  	v3 =	vand.u32 $0x7, v3  }
0xe6: {  	v3 =	vor.u32 v3, v4  }
0xe7: {  	v4 =	vperm.xlane v3, v0;
	_ =	sdelay $0x1  }
0xe8: {  	v4 =	vadd.s32 v1, v4;
	_ =	sdelay $0x4  }
0xe9: {  	[hbm4b:s3+s2] =	stream.indirect_vreg.scatter [tilespmem:s12], [sflag:$0x4], $0x80, v4, vm0, $0xb8;
	[tilespmem:$0x12200] =	vst v63  }
0xea: {  	s1 =	simm.s32 $0x9A00  }
0xeb: {  	[hbm4b:s4+s2] =	stream.indirect_vreg.scatter [tilespmem:s1], [sflag:$0x4], $0x80, v4, vm0, $0xb8;
	[tilespmem:$0x12200] =	vst v63  }
0xec: {  	v3 =	vperm.xlane v3, v2  }
0xed: {  	[hbm4b:s5+s2] =	stream.indirect_vreg.scatter [tilespmem:s14], [sflag:$0x4], $0x80, v4, vm0, $0xb8;
	[tilespmem:$0x12200] =	vst v63  }
0xee: {  	v3 =	vadd.s32 v1, v3  }
0xef: {  	[hbm4b:s6+s2] =	stream.indirect_vreg.scatter [tilespmem:s15], [sflag:$0x4], $0x80, v4, vm0, $0xb8;
	[tilespmem:$0x12200] =	vst v63  }
0xf0: {  	_ = 	snop  }
0xf1: {  	[hbm4b:s7+s2] =	stream.indirect_vreg.scatter [tilespmem:s17], [sflag:$0x4], $0x80, v4, vm1, $0xb8;
	[tilespmem:$0x12200] =	vst v63  }
0xf2: {  	_ = 	snop  }
0xf3: {  	[hbm4b:s3+s2] =	stream.indirect_vreg.scatter [tilespmem:s18], [sflag:$0x4], $0x80, v3, vm0, $0xb8;
	[tilespmem:$0x12200] =	vst v63  }
0xf4: {  	_ = 	snop  }
0xf5: {  	[hbm4b:s4+s2] =	stream.indirect_vreg.scatter [tilespmem:s19], [sflag:$0x4], $0x80, v3, vm0, $0xb8;
	[tilespmem:$0x12200] =	vst v63  }
0xf6: {  	_ = 	snop  }
0xf7: {  	[hbm4b:s5+s2] =	stream.indirect_vreg.scatter [tilespmem:s20], [sflag:$0x4], $0x80, v3, vm0, $0xb8;
	[tilespmem:$0x12200] =	vst v63  }
0xf8: {  	_ = 	snop  }
0xf9: {  	[hbm4b:s6+s2] =	stream.indirect_vreg.scatter [tilespmem:s21], [sflag:$0x4], $0x80, v3, vm0, $0xb8;
	[tilespmem:$0x12200] =	vst v63  }
0xfa: {  	_ = 	snop  }
0xfb: {  	[hbm4b:s7+s2] =	stream.indirect_vreg.scatter [tilespmem:s22], [sflag:$0x4], $0x80, v3, vm1, $0xb8;
	[tilespmem:$0x12200] =	vst v63  }
0xfc: {  	v3 =	vld [tilespmem:$0x190];
	_ =	sdelay $0x4  }
0xfd: {  	v63 =	vshrl.u32 v3, $0x3  }
0xfe: {  	v4 =	vmul.u32 $0x48, v63  }
0xff: {  	v3 =	vand.u32 $0x7, v3  }
0x100: {  	v3 =	vor.u32 v3, v4  }
0x101: {  	v4 =	vperm.xlane v3, v0;
	_ =	sdelay $0x1  }
0x102: {  	v4 =	vadd.s32 v1, v4;
	_ =	sdelay $0x4  }
0x103: {  	[hbm4b:s3+s2] =	stream.indirect_vreg.scatter [tilespmem:s23], [sflag:$0x4], $0x80, v4, vm0, $0xb8;
	[tilespmem:$0x12200] =	vst v63  }
0x104: {  	_ = 	snop  }
0x105: {  	[hbm4b:s4+s2] =	stream.indirect_vreg.scatter [tilespmem:s24], [sflag:$0x4], $0x80, v4, vm0, $0xb8;
	[tilespmem:$0x12200] =	vst v63  }
0x106: {  	v3 =	vperm.xlane v3, v2  }
0x107: {  	[hbm4b:s5+s2] =	stream.indirect_vreg.scatter [tilespmem:s25], [sflag:$0x4], $0x80, v4, vm0, $0xb8;
	[tilespmem:$0x12200] =	vst v63  }
0x108: {  	v3 =	vadd.s32 v1, v3  }
0x109: {  	[hbm4b:s6+s2] =	stream.indirect_vreg.scatter [tilespmem:s26], [sflag:$0x4], $0x80, v4, vm0, $0xb8;
	[tilespmem:$0x12200] =	vst v63  }
0x10a: {  	_ = 	snop  }
0x10b: {  	[hbm4b:s7+s2] =	stream.indirect_vreg.scatter [tilespmem:s28], [sflag:$0x4], $0x80, v4, vm1, $0xb8;
	[tilespmem:$0x12200] =	vst v63  }
0x10c: {  	_ = 	snop  }
0x10d: {  	[hbm4b:s3+s2] =	stream.indirect_vreg.scatter [tilespmem:s29], [sflag:$0x4], $0x80, v3, vm0, $0xb8;
	[tilespmem:$0x12200] =	vst v63  }
0x10e: {  	_ = 	snop  }
0x10f: {  	[hbm4b:s4+s2] =	stream.indirect_vreg.scatter [tilespmem:s30], [sflag:$0x4], $0x80, v3, vm0, $0xb8;
	[tilespmem:$0x12200] =	vst v63  }
0x110: {  	_ = 	snop  }
0x111: {  	[hbm4b:s5+s2] =	stream.indirect_vreg.scatter [tilespmem:s31], [sflag:$0x4], $0x80, v3, vm0, $0xb8;
	[tilespmem:$0x12200] =	vst v63  }
0x112: {  	p0 =	sne.s32 s8, $0x1;
	s16 =	simm.s32 $0x11600  }
0x113: {  	[hbm4b:s6+s2] =	stream.indirect_vreg.scatter [tilespmem:s16], [sflag:$0x4], $0x80, v3, vm0, $0xb8;
	[tilespmem:$0x12200] =	vst v63  }
.Ltmp0:
0x114: {  	s17 =	simm.s32 $0x11E00;
	(pc) =	sbr.rel @p0 .LBB2_1-.Ltmp0, $4  }
0x115: {  	[hbm4b:s7+s2] =	stream.indirect_vreg.scatter [tilespmem:s17], [sflag:$0x4], $0x80, v3, vm1, $0xb8;
	[tilespmem:$0x12200] =	vst v63  }
0x116: {  	_ =	swait.ge [sflag:s10], $0x9000  }
0x117: {  	[sflag:s10] =	ssyncset.done $0x0  }
0x118: {  	s8 =	sadd.s32 $0xFFFFFFFF, s8;
	[sflag:s10] =	ssyncadd.s32 $0xFFFF7000  }
0x119: {  	_ =	sfence.sel $0x180000  }
0x11a: {  	[bflag:$0x0] =	sbarrier.arrive $0xFFFF  }
0x11b: {  	_ =	strace $0x90000047  }
0x11c: {  	s0 =	stileid.u32;
	[bflag:$0x2] =	sbarrier.arrive $0xFFFF  }
0x11d: {  	p0 =	sne.s32 s0, $0x0;
	s0 =	rddreg [dreg:$0x1]  }
0x11e: {  	s0 =	sadd.s32 @!p0 $0x100000, s0  }
0x11f: {  	[sflag:s0] =	ssyncadd.tile.s32 @!p0 $0x1;
	_ =	shalt  }
.Lfunc_end2:
_tile_overlayer_lowered:
.L_overlay_start_2:
0x120: {  	(tag) =	ssettag $0x2  }
0x121: {  	s0 =	rddreg [dreg:$0x0];
	s2 =	stileid.u32  }
0x122: {  	s1 =	rddreg [dreg:$0x1];
	p0 =	sne.s32 s2, $0x0  }
0x123: {  	s3 =	rddreg [dreg:$0x2];
	[bflag:$0x3] =	sbarrier.arrive $0xFFFF;
	s2 =	simm.s32 @!p0 $0x1C05  }
0x124: {  	[timem:s3], [sflag:s2] =	dma.local @!p0 [hbm:s0], s1  }
0x125: {  	s0 =	simm.s32 @!p0 $0x5  }
0x126: {  	_ =	swait.ge @!p0 [sflag:s0], s1  }
0x127: {  	s1 =	ssub.s32 @!p0 $0x0, s1;
	[sflag:s0] =	ssyncset.done @!p0 $0x0  }
0x128: {  	[sflag:s0] =	ssyncadd.s32 @!p0 s1  }
0x129: {  	[bflag:$0x3] =	sbarrier.arrive $0xFFFF  }
0x12a: {  	_ =	shalt  }

// kernel: kernel.9.cloned.1.call-start
scs
__scs_entry_jumppad:
0x0: {  	(pc) =	sbr.rel $0x88, $3  }
0x1: {  	(tag) =	ssettag $0x0;
	lr =	simm.s32 $0x1  }
0x2: {  	[smem:$0x3F9C] =	sst lr;
	_ =	strace $0xD0000000  }
0x3: {  	_ = 	snop  }
0x4: {  	_ = 	snop  }
0x5: {  	_ = 	snop  }
0x6: {  	_ = 	snop  }
0x7: {  	_ = 	snop  }
__scs_overlays_trampoline_lowered:
0x8: {  	[smem:$0x3FAB] =	sst s0  }
0x9: {  	[smem:$0x3FAC] =	sst s1  }
0xa: {  	[smem:$0x3FAD] =	sst s2  }
0xb: {  	[smem:$0x3FAE] =	sst s3  }
0xc: {  	[smem:$0x3FAF] =	sst s4  }
0xd: {  	[smem:$0x3FB0] =	sst s5  }
0xe: {  	[smem:$0x3FB1] =	sst s6  }
0xf: {  	[smem:$0x3FB2] =	sst s7  }
0x10: {  	[smem:$0x3FB3] =	sst s8  }
0x11: {  	[smem:$0x3FB4] =	sst s9;
	s0 =	simm.s32 @!p0 $0x0  }
0x12: {  	s1 =	sld [smem:$0x3F9A];
	s0 =	simm.s32 @p0 $0x1  }
0x13: {  	[smem:$0x3FB5] =	sst s0;
	s0 =	simm.s32 @!p1 $0x0  }
0x14: {  	s2 =	sld [smem:$0x3F99];
	s0 =	simm.s32 @p1 $0x1  }
0x15: {  	[smem:$0x3FB6] =	sst s0;
	s0 =	simm.s32 @!p2 $0x0  }
0x16: {  	s3 =	sld [smem:$0x3FDB];
	s0 =	simm.s32 @p2 $0x1  }
0x17: {  	s4 =	simm.s32 $0x1BF5;
	[smem:$0x3FB8] =	sst s0  }
0x18: {  	s0 =	sld [smem:$0x3F9B];
	_ =	swait.ge [sflag:s4], $0x0  }
0x19: {  	s7 =	sld [smem:$0x3F9C]  }
0x1a: {  	s8 =	sadd.s32 $0xFFFFE003, lr  }
0x1b: {  	s9 =	sadd.s32 $0xFFFFFEF7, lr;
	s5 =	simm.s32 $0xFFFFFFFF;
	p2 =	slt.u32 s8, $0xFFFFF086  }
0x1c: {  	p1 =	slt.u32 s9, $0xF7A;
	s5 =	simm.s32 @!p2 $0x0  }
0x1d: {  	s5 =	simm.s32 @p1 $0x1;
	p0 =	seq.s32 s7, s2  }
0x1e: {  	s7 =	smul.u32 @!p0 $0xF7A, s2;
	p2 =	seq.s32 @!p0 s5, $0x0  }
0x1f: {  	s9 =	smul.u32 $0xF7A, s1;
	s8 =	simm.s32 @!p0 $0x1BF5;
	p2 =	por !p2, p0  }
0x20: {  	[sflag:s8] =	ssyncset.s32 @!p0 $0xFFFFF086;
	s6 =	sadd.s32 @!p0 s3, s7;
	s7 =	simm.s32 @!p0 $0x108  }
0x21: {  	s3 =	sadd.s32 s3, s9;
	s6 =	sadd.s32 @!p0 $0x88, s6;
	s7 =	simm.s32 @p2 $0x1082  }
0x22: {  	[simem:s7], [sflag:s8] =	dma.local @!p0 [hbm:s6], $0xF7A  }
0x23: {  	s9 =	sor.u32 $0xD0000000, s2;
	s6 =	simm.s32 $0x108;
	_ =	swait.ge @!p0 [sflag:s8], $0x0  }
0x24: {  	s3 =	sadd.s32 $0x88, s3;
	s6 =	simm.s32 @!p1 $0x1082;
	[sflag:s4] =	ssyncset.s32 $0xFFFFF086  }
0x25: {  	[simem:s6], [sflag:s4] =	dma.local [hbm:s3], $0xF7A  }
0x26: {  	[smem:$0x3F9C] =	sst s1;
	(tag) =	ssettag s2;
	_ =	strace s9  }
0x27: {  	s1 =	sld [smem:$0x3FAC]  }
0x28: {  	s2 =	sld [smem:$0x3FAD]  }
0x29: {  	s4 =	sld [smem:$0x3FAF]  }
0x2a: {  	p0 =	seq.s32 s5, $0x0;
	s5 =	sld [smem:$0x3FB0]  }
0x2b: {  	s6 =	sld [smem:$0x3FB1]  }
0x2c: {  	s7 =	sld [smem:$0x3FB2]  }
0x2d: {  	s3 =	simm.s32 $0x108;
	s8 =	sld [smem:$0x3FB3]  }
0x2e: {  	s3 =	simm.s32 @!p0 $0x1082;
	s9 =	sld [smem:$0x3FB4]  }
0x2f: {  	lr =	sadd.s32 s0, s3;
	s0 =	sld [smem:$0x3FAB]  }
0x30: {  	s3 =	sld [smem:$0x3FAE]  }
0x31: {  	[smem:$0x3FB7] =	sst s10  }
0x32: {  	s10 =	sld [smem:$0x3FB5];
	_ =	sdelay $0x3  }
0x33: {  	p0 =	seq.s32 s10, $0x1;
	s10 =	sld [smem:$0x3FB7];
	_ =	sdelay $0x3  }
0x34: {  	[smem:$0x3FB7] =	sst s10  }
0x35: {  	s10 =	sld [smem:$0x3FB6];
	_ =	sdelay $0x3  }
0x36: {  	p1 =	seq.s32 s10, $0x1;
	s10 =	sld [smem:$0x3FB7];
	_ =	sdelay $0x3  }
0x37: {  	[smem:$0x3FB7] =	sst s10  }
0x38: {  	s10 =	sld [smem:$0x3FB8]  }
0x39: {  	_ = 	snop;
	(pc) =	sbr.ind lr, $3  }
0x3a: {  	_ = 	snop  }
0x3b: {  	_ = 	snop  }
0x3c: {  	p2 =	seq.s32 s10, $0x1;
	s10 =	sld [smem:$0x3FB7]  }
0x3d: {  	_ =	shalt  }
0x3e: {  	_ =	shalt  }
0x3f: {  	_ =	shalt  }
0x40: {  	_ =	shalt  }
0x41: {  	_ =	shalt  }
0x42: {  	_ =	shalt  }
0x43: {  	_ =	shalt  }
0x44: {  	_ =	shalt  }
0x45: {  	_ =	shalt  }
0x46: {  	_ =	shalt  }
0x47: {  	_ =	shalt  }
0x48: {  	_ =	shalt  }
0x49: {  	_ =	shalt  }
0x4a: {  	_ =	shalt  }
0x4b: {  	_ =	shalt  }
0x4c: {  	_ =	shalt  }
0x4d: {  	_ =	shalt  }
0x4e: {  	_ =	shalt  }
0x4f: {  	_ =	shalt  }
0x50: {  	_ =	shalt  }
0x51: {  	_ =	shalt  }
0x52: {  	_ =	shalt  }
0x53: {  	_ =	shalt  }
0x54: {  	_ =	shalt  }
0x55: {  	_ =	shalt  }
0x56: {  	_ =	shalt  }
0x57: {  	_ =	shalt  }
0x58: {  	_ =	shalt  }
0x59: {  	_ =	shalt  }
0x5a: {  	_ =	shalt  }
0x5b: {  	_ =	shalt  }
0x5c: {  	_ =	shalt  }
0x5d: {  	_ =	shalt  }
0x5e: {  	_ =	shalt  }
0x5f: {  	_ =	shalt  }
0x60: {  	_ =	shalt  }
0x61: {  	_ =	shalt  }
0x62: {  	_ =	shalt  }
0x63: {  	_ =	shalt  }
0x64: {  	_ =	shalt  }
0x65: {  	_ =	shalt  }
0x66: {  	_ =	shalt  }
0x67: {  	_ =	shalt  }
0x68: {  	_ =	shalt  }
0x69: {  	_ =	shalt  }
0x6a: {  	_ =	shalt  }
0x6b: {  	_ =	shalt  }
0x6c: {  	_ =	shalt  }
0x6d: {  	_ =	shalt  }
0x6e: {  	_ =	shalt  }
0x6f: {  	_ =	shalt  }
0x70: {  	_ =	shalt  }
0x71: {  	_ =	shalt  }
0x72: {  	_ =	shalt  }
0x73: {  	_ =	shalt  }
0x74: {  	_ =	shalt  }
0x75: {  	_ =	shalt  }
0x76: {  	_ =	shalt  }
0x77: {  	_ =	shalt  }
0x78: {  	_ =	shalt  }
0x79: {  	_ =	shalt  }
0x7a: {  	_ =	shalt  }
0x7b: {  	_ =	shalt  }
0x7c: {  	_ =	shalt  }
0x7d: {  	_ =	shalt  }
0x7e: {  	_ =	shalt  }
0x7f: {  	_ =	shalt  }
0x80: {  	_ =	shalt  }
0x81: {  	_ =	shalt  }
0x82: {  	_ =	shalt  }
0x83: {  	_ =	shalt  }
0x84: {  	_ =	shalt  }
0x85: {  	_ =	shalt  }
0x86: {  	_ =	shalt  }
0x87: {  	_ =	shalt  }
.Lfunc_end0:
.L_simem_size_0:
called_computation.1_lowered:
.L_overlay_start_0:
0x88: {  	s2 =	sld [smem:$0x3FD9]  }
0x89: {  	s3 =	sld [smem:$0x3FFE];
	_ =	sdelay $0x1  }
0x8a: {  	s1 =	srdreg.scid  }
0x8b: {  	s0 =	sand.u32 $0x1, s1  }
0x8c: {  	s14 =	sshll.u32 s0, $0xA;
	s2 =	sadd.s32 s3, s2  }
0x8d: {  	s2 =	sadd.s32 s2, s14  }
0x8e: {  	[smem:$0x3FC3] =	sst s2  }
0x8f: {  	_ = 	snop  }
0x90: {  	s2 =	sld [smem:$0x3FD0];
	_ =	sdelay $0x2  }
0x91: {  	s15 =	simm.s32 $0xA;
	s4 =	simm.s32 $0x10  }
0x92: {  	[smem:s4], [sflag:s15] =	dma.local [hbm:s2], $0x1  }
0x93: {  	_ =	swait.eq [sflag:s15], $0x1  }
0x94: {  	[sflag:s15] =	ssyncset.done $0x0  }
0x95: {  	[sflag:s15] =	ssyncadd.s32 $0xFFFFFFFF  }
0x96: {  	s16 =	sld [smem:$0x10];
	(tm) =	ssettm $0x1  }
0x97: {  	s17 =	sld [smem:$0x3FFB];
	_ =	sdelay $0x3  }
0x98: {  	_ =	strace s17  }
0x99: {  	s3 =	sld [smem:$0x3FFC];
	_ =	sdelay $0x3  }
0x9a: {  	_ =	strace s3  }
0x9b: {  	s3 =	sld [smem:$0x3FFD];
	_ =	sdelay $0x3  }
0x9c: {  	_ =	strace s3  }
0x9d: {  	_ =	strace $0x8FFFFFFF  }
0x9e: {  	s18 =	sld [smem:$0x3FDB];
	_ =	sdelay $0x1  }
0x9f: {  	s19 =	simm.s32 $_scs_section_size  }
0xa0: {  	s5 =	simm.s32 $_size__tile_overlayer_lowered;
	s6 =	simm.s32 $_tile_overlayer_lowered  }
0xa1: {  	s22 =	simm.s32 $0x1BFF;
	s21 =	sshll.u32 s6, $0x1;
	s3 =	sadd.s32 s19, s18  }
0xa2: {  	s7 =	simm.s32 $0x0;
	s20 =	sshll.u32 s5, $0x1;
	s5 =	sadd.s32 s21, s3  }
0xa3: {  	[timem:s7], [sflag:s22] =	dma.local [hbm:s5], s20  }
0xa4: {  	_ =	swait.ge [sflag:s22], s20  }
0xa5: {  	s4 =	ssub.s32 $0x0, s20;
	[sflag:s22] =	ssyncset.done $0x0  }
0xa6: {  	[sflag:s22] =	ssyncadd.s32 s4;
	_ =	sdelay $0x1  }
0xa7: {  	s23 =	simm.s32 $0x1B8B  }
0xa8: {  	_ =	swait.ge [sflag:s23], $0x1  }
0xa9: {  	[sflag:s23] =	ssyncset.done $0x0  }
0xaa: {  	s25 =	simm.s32 $0x1B8E;
	s24 =	sld [smem:$0x3FFE];
	[sflag:s23] =	ssyncadd.s32 $0xFFFFFFFF  }
0xab: {  	s26 =	simm.s32 $execute0_lowered;
	[smem:$0x3FD2] =	sst s25  }
0xac: {  	s5 =	sshll.u32 s26, $0x1;
	_ =	strace $0x80000049;
	[dreg:$0x1] =	wrdreg $0xFFFFFFFF  }
0xad: {  	s28 =	simm.s32 $_size_execute0_lowered;
	s3 =	sadd.s32 s3, s5;
	[dreg:$0x0] =	wrdreg $0x0  }
0xae: {  	s5 =	sshll.u32 s28, $0x1;
	[dreg:$0x2] =	wrdreg s3  }
0xaf: {  	[dreg:$0x3] =	wrdreg s5  }
0xb0: {  	[dreg:$0x4] =	wrdreg $0xC0  }
0xb1: {  	_ =	task [dreg:s7], $0x5FFFF  }
0xb2: {  	[dreg:$0x1] =	wrdreg $0xFFFFFFFF  }
0xb3: {  	[dreg:$0x0] =	wrdreg $0x60  }
0xb4: {  	[dreg:$0x2] =	wrdreg s24  }
0xb5: {  	[dreg:$0x3] =	wrdreg s16  }
0xb6: {  	[dreg:$0x4] =	wrdreg $0x9  }
0xb7: {  	_ =	task.clear_ibuf [dreg:s7], $0x5FFFF;
	_ =	strace $0x90000049  }
0xb8: {  	s29 =	simm.s32 $0x9;
	_ =	strace $0x8000004B  }
0xb9: {  	_ =	swait.ge [sflag:s29], $0x1  }
0xba: {  	[sflag:s29] =	ssyncadd.s32 $0xFFFFFFFF  }
0xbb: {  	_ =	strace $0x9000004B  }
0xbc: {  	_ =	sfence  }
0xbd: {  	s30 =	sld [smem:$0x0];
	_ =	sdelay $0x2  }
0xbe: {  	s31 =	sshll.u32 s1, $0xD;
	s1 =	sshrl.u32 s1, $0x2  }
0xbf: {  	s3 =	sand.u32 $0x4000, s31;
	s1 =	sadd.s32 s1, s30  }
0xc0: {  	s0 =	sor.u32 s3, s0;
	s1 =	sshll.u32 s1, $0x11  }
0xc1: {  	s0 =	sor.u32 s1, s0  }
0xc2: {  	s0 =	sadd.s32 $0x8F2B, s0  }
0xc3: {  	[sflag:s0] =	ssyncadd.remote.s32 $0x1  }
0xc4: {  	_ =	sfence.sel $0xFFFF  }
0xc5: {  	[dreg:$0x0] =	wrdreg $0xFFFFFFFF;
	(pc) =	sbr.abs _section_cstart, $3  }
0xc6: {  	[dreg:$0x1] =	wrdreg $0xFFFFFFFF  }
0xc7: {  	_ =	task.clear_ibuf [dreg:s7], $0x2FFFF;
	_ =	strace $0x9FFFFFFF  }
0xc8: {  	(tm) =	ssettm $0x7FFFFFFF  }
0xc9: {  	_ =	shalt  }
tec
execute0_lowered:
.L_overlay_start_1:
0x0: {  	(tag) =	ssettag $0x1  }
0x1: {  	s0 =	rddreg [dreg:$0x0]  }
0x2: {  	s1 =	rddreg [dreg:$0x1];
	s3 =	srdreg.scid  }
0x3: {  	s2 =	simm.s32 $0x0;
	s5 =	stileid.u32;
	s9 =	simm.s32 $0x1  }
0x4: {  	s21 =	simm.s32 $0x3;
	s22 =	simm.s32 $0x4;
	s28 =	simm.s32 $0x1880  }
0x5: {  	s29 =	simm.s32 $0x2080;
	s30 =	simm.s32 $0x2880;
	s31 =	simm.s32 $0x3080  }
0x6: {  	s11 =	simm.s32 $0x4880;
	s12 =	simm.s32 $0x5080;
	s13 =	simm.s32 $0x5880  }
0x7: {  	s14 =	simm.s32 $0x6080;
	s15 =	simm.s32 $0x6880;
	s16 =	simm.s32 $0x7080  }
0x8: {  	s17 =	simm.s32 $0x7880;
	s20 =	simm.s32 $0x8080;
	s18 =	simm.s32 $0x8880  }
0x9: {  	s19 =	simm.s32 $0x9080;
	s4 =	sand.u32 $0x1, s3;
	[smem:$0x7FF] =	sst s2  }
0xa: {  	s23 =	sshll.u32 s5, $0x8;
	s3 =	sadd.s32 $0x18D800, s0;
	s24 =	sshll.u32 s4, $0x7  }
0xb: {  	_ =	strace $0x8000004A;
	s4 =	ssub.s32 $0x2, s4;
	s5 =	sor.u32 s24, s23  }
0xc: {  	s7 =	sshrl.u32 s4, $0x1;
	s6 =	sshrl.u32 s5, $0x3;
	s5 =	sshll.u32 s5, $0x7  }
0xd: {  	s24 =	simm.s32 $0x880;
	s6 =	sadd.s32 s6, s0;
	s8 =	sadd.s32 s1, s5  }
0xe: {  	s4 =	ssub.s32 s4, s7;
	s6 =	sadd.s32 $0xB5400, s6;
	[dreg:$0x7] =	wrdreg s8  }
0xf: {  	s7 =	sadd.s32 $0x18DB00, s0;
	s1 =	sadd.s32 $0x1000, s8;
	[dreg:$0x3] =	wrdreg s6  }
0x10: {  	s5 =	sadd.s32 $0x18D900, s0;
	s25 =	sadd.s32 $0x2000, s8;
	[dreg:$0x4] =	wrdreg s1  }
0x11: {  	v2 =	vlaneseq.u32;
	s26 =	sadd.s32 $0x3000, s8;
	s8 =	smax.u32 s4, $0x1;
	[dreg:$0x5] =	wrdreg s25  }
0x12: {  	vm0 =	vmmov $0xffff;
	v1 =	vshrl.u32 v2, $0x3;
	s4 =	simm.s32 $0x2;
	s6 =	sadd.s32 $0x18DA00, s0;
	[dreg:$0x6] =	wrdreg s26  }
0x13: {  	v0 =	vand.u32 $0x7, v2;
	v2 =	vor.u32 $0x8, v2;
	v1 =	vmul.u32 $0x8, v1;
	s26 =	simm.s32 $0x80;
	s25 =	simm.s32 $0x1080;
	s1 =	simm.s32 $0x4080  }
.LBB2_1:
0x14: {  	s23 =	rddreg [dreg:$0x3];
	s0 =	simm.s32 $0x5  }
0x15: {  	[tilespmem:s2], [sflag:$0x5] =	stream.linear.gather [hbm4b:s23+s2], $0x80, $0x38;
	[tilespmem:$0x10080] =	vst v63  }
0x16: {  	_ =	swait.ge [sflag:s0], $0x80  }
0x17: {  	[sflag:s0] =	ssyncset.done $0x0  }
0x18: {  	[sflag:s0] =	ssyncadd.s32 $0xFFFFFF80  }
0x19: {  	v3 =	vld [tilespmem:$0x0];
	_ =	sdelay $0x4  }
0x1a: {  	v4 =	vshll.u32 v3, $0x3  }
0x1b: {  	v3 =	vand.u32 $0x7, v3;
	v4 =	vand.u32 $0xFFFFFFC0, v4  }
0x1c: {  	v3 =	vor.u32 v3, v4  }
0x1d: {  	v4 =	vperm.xlane v3, v0;
	_ =	sdelay $0x1  }
0x1e: {  	v4 =	vadd.s32 v1, v4;
	_ =	sdelay $0x4  }
0x1f: {  	[tilespmem:s26], [sflag:$0x1] =	stream.indirect_vreg.gather [hbm4b:s3+s2], $0x80, v4, vm0, $0xb8;
	[tilespmem:$0x10080] =	vst v63  }
0x20: {  	v3 =	vperm.xlane v3, v2  }
0x21: {  	[tilespmem:s24], [sflag:$0x1] =	stream.indirect_vreg.gather [hbm4b:s5+s2], $0x80, v4, vm0, $0xb8;
	[tilespmem:$0x10080] =	vst v63  }
0x22: {  	v3 =	vadd.s32 v1, v3  }
0x23: {  	[tilespmem:s25], [sflag:$0x1] =	stream.indirect_vreg.gather [hbm4b:s6+s2], $0x80, v4, vm0, $0xb8;
	[tilespmem:$0x10080] =	vst v63  }
0x24: {  	_ = 	snop  }
0x25: {  	[tilespmem:s28], [sflag:$0x1] =	stream.indirect_vreg.gather [hbm4b:s7+s2], $0x80, v4, vm0, $0xb8;
	[tilespmem:$0x10080] =	vst v63  }
0x26: {  	_ = 	snop  }
0x27: {  	[tilespmem:s29], [sflag:$0x1] =	stream.indirect_vreg.gather [hbm4b:s3+s2], $0x80, v3, vm0, $0xb8;
	[tilespmem:$0x10080] =	vst v63  }
0x28: {  	_ = 	snop  }
0x29: {  	[tilespmem:s30], [sflag:$0x1] =	stream.indirect_vreg.gather [hbm4b:s5+s2], $0x80, v3, vm0, $0xb8;
	[tilespmem:$0x10080] =	vst v63  }
0x2a: {  	_ = 	snop  }
0x2b: {  	[tilespmem:s31], [sflag:$0x1] =	stream.indirect_vreg.gather [hbm4b:s6+s2], $0x80, v3, vm0, $0xb8;
	[tilespmem:$0x10080] =	vst v63  }
0x2c: {  	s0 =	simm.s32 $0x3880  }
0x2d: {  	[tilespmem:s0], [sflag:$0x1] =	stream.indirect_vreg.gather [hbm4b:s7+s2], $0x80, v3, vm0, $0xb8;
	[tilespmem:$0x10080] =	vst v63  }
0x2e: {  	v3 =	vld [tilespmem:$0x10];
	_ =	sdelay $0x4  }
0x2f: {  	v57 =	vshll.u32 v3, $0x3  }
0x30: {  	v3 =	vand.u32 $0x7, v3;
	v4 =	vand.u32 $0xFFFFFFC0, v57  }
0x31: {  	v3 =	vor.u32 v3, v4  }
0x32: {  	v4 =	vperm.xlane v3, v0;
	_ =	sdelay $0x1  }
0x33: {  	v4 =	vadd.s32 v1, v4;
	_ =	sdelay $0x4  }
0x34: {  	[tilespmem:s1], [sflag:$0x1] =	stream.indirect_vreg.gather [hbm4b:s3+s2], $0x80, v4, vm0, $0xb8;
	[tilespmem:$0x10080] =	vst v63  }
0x35: {  	v3 =	vperm.xlane v3, v2  }
0x36: {  	[tilespmem:s11], [sflag:$0x1] =	stream.indirect_vreg.gather [hbm4b:s5+s2], $0x80, v4, vm0, $0xb8;
	[tilespmem:$0x10080] =	vst v63  }
0x37: {  	v3 =	vadd.s32 v1, v3  }
0x38: {  	[tilespmem:s12], [sflag:$0x1] =	stream.indirect_vreg.gather [hbm4b:s6+s2], $0x80, v4, vm0, $0xb8;
	[tilespmem:$0x10080] =	vst v63  }
0x39: {  	_ = 	snop  }
0x3a: {  	[tilespmem:s13], [sflag:$0x1] =	stream.indirect_vreg.gather [hbm4b:s7+s2], $0x80, v4, vm0, $0xb8;
	[tilespmem:$0x10080] =	vst v63  }
0x3b: {  	_ = 	snop  }
0x3c: {  	[tilespmem:s14], [sflag:$0x1] =	stream.indirect_vreg.gather [hbm4b:s3+s2], $0x80, v3, vm0, $0xb8;
	[tilespmem:$0x10080] =	vst v63  }
0x3d: {  	_ = 	snop  }
0x3e: {  	[tilespmem:s15], [sflag:$0x1] =	stream.indirect_vreg.gather [hbm4b:s5+s2], $0x80, v3, vm0, $0xb8;
	[tilespmem:$0x10080] =	vst v63  }
0x3f: {  	_ = 	snop  }
0x40: {  	[tilespmem:s16], [sflag:$0x1] =	stream.indirect_vreg.gather [hbm4b:s6+s2], $0x80, v3, vm0, $0xb8;
	[tilespmem:$0x10080] =	vst v63  }
0x41: {  	_ = 	snop  }
0x42: {  	[tilespmem:s17], [sflag:$0x1] =	stream.indirect_vreg.gather [hbm4b:s7+s2], $0x80, v3, vm0, $0xb8;
	[tilespmem:$0x10080] =	vst v63  }
0x43: {  	v3 =	vld [tilespmem:$0x20];
	_ =	sdelay $0x4  }
0x44: {  	v58 =	vshll.u32 v3, $0x3  }
0x45: {  	v3 =	vand.u32 $0x7, v3;
	v4 =	vand.u32 $0xFFFFFFC0, v58  }
0x46: {  	v3 =	vor.u32 v3, v4  }
0x47: {  	v4 =	vperm.xlane v3, v0;
	_ =	sdelay $0x1  }
0x48: {  	v4 =	vadd.s32 v1, v4;
	_ =	sdelay $0x4  }
0x49: {  	[tilespmem:s20], [sflag:$0x2] =	stream.indirect_vreg.gather [hbm4b:s3+s2], $0x80, v4, vm0, $0xb8;
	[tilespmem:$0x10080] =	vst v63  }
0x4a: {  	v3 =	vperm.xlane v3, v2  }
0x4b: {  	[tilespmem:s18], [sflag:$0x2] =	stream.indirect_vreg.gather [hbm4b:s5+s2], $0x80, v4, vm0, $0xb8;
	[tilespmem:$0x10080] =	vst v63  }
0x4c: {  	v3 =	vadd.s32 v1, v3  }
0x4d: {  	[tilespmem:s19], [sflag:$0x2] =	stream.indirect_vreg.gather [hbm4b:s6+s2], $0x80, v4, vm0, $0xb8;
	[tilespmem:$0x10080] =	vst v63  }
0x4e: {  	s10 =	simm.s32 $0x9880  }
0x4f: {  	[tilespmem:s10], [sflag:$0x2] =	stream.indirect_vreg.gather [hbm4b:s7+s2], $0x80, v4, vm0, $0xb8;
	[tilespmem:$0x10080] =	vst v63  }
0x50: {  	s10 =	simm.s32 $0xA080  }
0x51: {  	[tilespmem:s10], [sflag:$0x2] =	stream.indirect_vreg.gather [hbm4b:s3+s2], $0x80, v3, vm0, $0xb8;
	[tilespmem:$0x10080] =	vst v63  }
0x52: {  	s23 =	simm.s32 $0xA880  }
0x53: {  	[tilespmem:s23], [sflag:$0x2] =	stream.indirect_vreg.gather [hbm4b:s5+s2], $0x80, v3, vm0, $0xb8;
	[tilespmem:$0x10080] =	vst v63  }
0x54: {  	s23 =	simm.s32 $0xB080  }
0x55: {  	[tilespmem:s23], [sflag:$0x2] =	stream.indirect_vreg.gather [hbm4b:s6+s2], $0x80, v3, vm0, $0xb8;
	[tilespmem:$0x10080] =	vst v63  }
0x56: {  	s23 =	simm.s32 $0xB880  }
0x57: {  	[tilespmem:s23], [sflag:$0x2] =	stream.indirect_vreg.gather [hbm4b:s7+s2], $0x80, v3, vm0, $0xb8;
	[tilespmem:$0x10080] =	vst v63  }
0x58: {  	v3 =	vld [tilespmem:$0x30];
	_ =	sdelay $0x4  }
0x59: {  	v59 =	vshll.u32 v3, $0x3  }
0x5a: {  	v3 =	vand.u32 $0x7, v3;
	v4 =	vand.u32 $0xFFFFFFC0, v59  }
0x5b: {  	v3 =	vor.u32 v3, v4  }
0x5c: {  	v4 =	vperm.xlane v3, v0;
	_ =	sdelay $0x1  }
0x5d: {  	v4 =	vadd.s32 v1, v4;
	_ =	sdelay $0x3  }
0x5e: {  	s23 =	simm.s32 $0xC080  }
0x5f: {  	[tilespmem:s23], [sflag:$0x2] =	stream.indirect_vreg.gather [hbm4b:s3+s2], $0x80, v4, vm0, $0xb8;
	[tilespmem:$0x10080] =	vst v63  }
0x60: {  	v3 =	vperm.xlane v3, v2;
	s23 =	simm.s32 $0xC880  }
0x61: {  	[tilespmem:s23], [sflag:$0x2] =	stream.indirect_vreg.gather [hbm4b:s5+s2], $0x80, v4, vm0, $0xb8;
	[tilespmem:$0x10080] =	vst v63  }
0x62: {  	v3 =	vadd.s32 v1, v3;
	s23 =	simm.s32 $0xD080  }
0x63: {  	[tilespmem:s23], [sflag:$0x2] =	stream.indirect_vreg.gather [hbm4b:s6+s2], $0x80, v4, vm0, $0xb8;
	[tilespmem:$0x10080] =	vst v63  }
0x64: {  	s23 =	simm.s32 $0xD880  }
0x65: {  	[tilespmem:s23], [sflag:$0x2] =	stream.indirect_vreg.gather [hbm4b:s7+s2], $0x80, v4, vm0, $0xb8;
	[tilespmem:$0x10080] =	vst v63  }
0x66: {  	s23 =	simm.s32 $0xE080  }
0x67: {  	[tilespmem:s23], [sflag:$0x2] =	stream.indirect_vreg.gather [hbm4b:s3+s2], $0x80, v3, vm0, $0xb8;
	[tilespmem:$0x10080] =	vst v63  }
0x68: {  	s23 =	simm.s32 $0xE880  }
0x69: {  	[tilespmem:s23], [sflag:$0x2] =	stream.indirect_vreg.gather [hbm4b:s5+s2], $0x80, v3, vm0, $0xb8;
	[tilespmem:$0x10080] =	vst v63  }
0x6a: {  	s23 =	simm.s32 $0xF080  }
0x6b: {  	[tilespmem:s23], [sflag:$0x2] =	stream.indirect_vreg.gather [hbm4b:s6+s2], $0x80, v3, vm0, $0xb8;
	[tilespmem:$0x10080] =	vst v63  }
0x6c: {  	s23 =	simm.s32 $0xF880  }
0x6d: {  	[tilespmem:s23], [sflag:$0x2] =	stream.indirect_vreg.gather [hbm4b:s7+s2], $0x80, v3, vm0, $0xb8;
	[tilespmem:$0x10080] =	vst v63  }
0x6e: {  	_ =	swait.ge [sflag:s9], $0x8000  }
0x6f: {  	[sflag:s9] =	ssyncset.done $0x0  }
0x70: {  	s23 =	rddreg [dreg:$0x7];
	[sflag:s9] =	ssyncadd.s32 $0xFFFF8000  }
0x71: {  	[hbm4b:s23+s2] =	stream.linear.scatter [tilespmem:s26], [sflag:$0x3], $0x8000, $0x38;
	[tilespmem:$0x10080] =	vst v63  }
0x72: {  	_ =	swait.ge [sflag:s21], $0x8000  }
0x73: {  	[sflag:s21] =	ssyncset.done $0x0  }
0x74: {  	[sflag:s21] =	ssyncadd.s32 $0xFFFF8000  }
0x75: {  	v3 =	vld [tilespmem:$0x40];
	_ =	sdelay $0x4  }
0x76: {  	v60 =	vshll.u32 v3, $0x3  }
0x77: {  	v3 =	vand.u32 $0x7, v3;
	v4 =	vand.u32 $0xFFFFFFC0, v60  }
0x78: {  	v3 =	vor.u32 v3, v4  }
0x79: {  	v4 =	vperm.xlane v3, v0;
	_ =	sdelay $0x1  }
0x7a: {  	v4 =	vadd.s32 v1, v4;
	_ =	sdelay $0x4  }
0x7b: {  	[tilespmem:s26], [sflag:$0x1] =	stream.indirect_vreg.gather [hbm4b:s3+s2], $0x80, v4, vm0, $0xb8;
	[tilespmem:$0x10080] =	vst v63  }
0x7c: {  	v3 =	vperm.xlane v3, v2  }
0x7d: {  	[tilespmem:s24], [sflag:$0x1] =	stream.indirect_vreg.gather [hbm4b:s5+s2], $0x80, v4, vm0, $0xb8;
	[tilespmem:$0x10080] =	vst v63  }
0x7e: {  	v3 =	vadd.s32 v1, v3  }
0x7f: {  	[tilespmem:s25], [sflag:$0x1] =	stream.indirect_vreg.gather [hbm4b:s6+s2], $0x80, v4, vm0, $0xb8;
	[tilespmem:$0x10080] =	vst v63  }
0x80: {  	_ = 	snop  }
0x81: {  	[tilespmem:s28], [sflag:$0x1] =	stream.indirect_vreg.gather [hbm4b:s7+s2], $0x80, v4, vm0, $0xb8;
	[tilespmem:$0x10080] =	vst v63  }
0x82: {  	_ = 	snop  }
0x83: {  	[tilespmem:s29], [sflag:$0x1] =	stream.indirect_vreg.gather [hbm4b:s3+s2], $0x80, v3, vm0, $0xb8;
	[tilespmem:$0x10080] =	vst v63  }
0x84: {  	_ = 	snop  }
0x85: {  	[tilespmem:s30], [sflag:$0x1] =	stream.indirect_vreg.gather [hbm4b:s5+s2], $0x80, v3, vm0, $0xb8;
	[tilespmem:$0x10080] =	vst v63  }
0x86: {  	_ = 	snop  }
0x87: {  	[tilespmem:s31], [sflag:$0x1] =	stream.indirect_vreg.gather [hbm4b:s6+s2], $0x80, v3, vm0, $0xb8;
	[tilespmem:$0x10080] =	vst v63  }
0x88: {  	_ = 	snop  }
0x89: {  	[tilespmem:s0], [sflag:$0x1] =	stream.indirect_vreg.gather [hbm4b:s7+s2], $0x80, v3, vm0, $0xb8;
	[tilespmem:$0x10080] =	vst v63  }
0x8a: {  	v3 =	vld [tilespmem:$0x50];
	_ =	sdelay $0x4  }
0x8b: {  	v61 =	vshll.u32 v3, $0x3  }
0x8c: {  	v3 =	vand.u32 $0x7, v3;
	v4 =	vand.u32 $0xFFFFFFC0, v61  }
0x8d: {  	v3 =	vor.u32 v3, v4  }
0x8e: {  	v4 =	vperm.xlane v3, v0;
	_ =	sdelay $0x1  }
0x8f: {  	v4 =	vadd.s32 v1, v4;
	_ =	sdelay $0x4  }
0x90: {  	[tilespmem:s1], [sflag:$0x1] =	stream.indirect_vreg.gather [hbm4b:s3+s2], $0x80, v4, vm0, $0xb8;
	[tilespmem:$0x10080] =	vst v63  }
0x91: {  	v3 =	vperm.xlane v3, v2  }
0x92: {  	[tilespmem:s11], [sflag:$0x1] =	stream.indirect_vreg.gather [hbm4b:s5+s2], $0x80, v4, vm0, $0xb8;
	[tilespmem:$0x10080] =	vst v63  }
0x93: {  	v3 =	vadd.s32 v1, v3  }
0x94: {  	[tilespmem:s12], [sflag:$0x1] =	stream.indirect_vreg.gather [hbm4b:s6+s2], $0x80, v4, vm0, $0xb8;
	[tilespmem:$0x10080] =	vst v63  }
0x95: {  	_ = 	snop  }
0x96: {  	[tilespmem:s13], [sflag:$0x1] =	stream.indirect_vreg.gather [hbm4b:s7+s2], $0x80, v4, vm0, $0xb8;
	[tilespmem:$0x10080] =	vst v63  }
0x97: {  	_ = 	snop  }
0x98: {  	[tilespmem:s14], [sflag:$0x1] =	stream.indirect_vreg.gather [hbm4b:s3+s2], $0x80, v3, vm0, $0xb8;
	[tilespmem:$0x10080] =	vst v63  }
0x99: {  	_ = 	snop  }
0x9a: {  	[tilespmem:s15], [sflag:$0x1] =	stream.indirect_vreg.gather [hbm4b:s5+s2], $0x80, v3, vm0, $0xb8;
	[tilespmem:$0x10080] =	vst v63  }
0x9b: {  	_ = 	snop  }
0x9c: {  	[tilespmem:s16], [sflag:$0x1] =	stream.indirect_vreg.gather [hbm4b:s6+s2], $0x80, v3, vm0, $0xb8;
	[tilespmem:$0x10080] =	vst v63  }
0x9d: {  	_ = 	snop  }
0x9e: {  	[tilespmem:s17], [sflag:$0x1] =	stream.indirect_vreg.gather [hbm4b:s7+s2], $0x80, v3, vm0, $0xb8;
	[tilespmem:$0x10080] =	vst v63  }
0x9f: {  	_ =	swait.ge [sflag:s4], $0x8000  }
0xa0: {  	[sflag:s4] =	ssyncset.done $0x0  }
0xa1: {  	s0 =	rddreg [dreg:$0x4];
	[sflag:s4] =	ssyncadd.s32 $0xFFFF8000  }
0xa2: {  	[hbm4b:s0+s2] =	stream.linear.scatter [tilespmem:s20], [sflag:$0x4], $0x8000, $0x38;
	[tilespmem:$0x10080] =	vst v63  }
0xa3: {  	_ =	swait.ge [sflag:s22], $0x8000  }
0xa4: {  	[sflag:s22] =	ssyncset.done $0x0  }
0xa5: {  	[sflag:s22] =	ssyncadd.s32 $0xFFFF8000  }
0xa6: {  	v3 =	vld [tilespmem:$0x60];
	_ =	sdelay $0x4  }
0xa7: {  	v62 =	vshll.u32 v3, $0x3  }
0xa8: {  	v3 =	vand.u32 $0x7, v3;
	v4 =	vand.u32 $0xFFFFFFC0, v62  }
0xa9: {  	v3 =	vor.u32 v3, v4  }
0xaa: {  	v4 =	vperm.xlane v3, v0;
	_ =	sdelay $0x1  }
0xab: {  	v4 =	vadd.s32 v1, v4;
	_ =	sdelay $0x4  }
0xac: {  	[tilespmem:s20], [sflag:$0x2] =	stream.indirect_vreg.gather [hbm4b:s3+s2], $0x80, v4, vm0, $0xb8;
	[tilespmem:$0x10080] =	vst v63  }
0xad: {  	v3 =	vperm.xlane v3, v2  }
0xae: {  	[tilespmem:s18], [sflag:$0x2] =	stream.indirect_vreg.gather [hbm4b:s5+s2], $0x80, v4, vm0, $0xb8;
	[tilespmem:$0x10080] =	vst v63  }
0xaf: {  	v3 =	vadd.s32 v1, v3  }
0xb0: {  	[tilespmem:s19], [sflag:$0x2] =	stream.indirect_vreg.gather [hbm4b:s6+s2], $0x80, v4, vm0, $0xb8;
	[tilespmem:$0x10080] =	vst v63  }
0xb1: {  	s23 =	simm.s32 $0x9880  }
0xb2: {  	[tilespmem:s23], [sflag:$0x2] =	stream.indirect_vreg.gather [hbm4b:s7+s2], $0x80, v4, vm0, $0xb8;
	[tilespmem:$0x10080] =	vst v63  }
0xb3: {  	_ = 	snop  }
0xb4: {  	[tilespmem:s10], [sflag:$0x2] =	stream.indirect_vreg.gather [hbm4b:s3+s2], $0x80, v3, vm0, $0xb8;
	[tilespmem:$0x10080] =	vst v63  }
0xb5: {  	s23 =	simm.s32 $0xA880  }
0xb6: {  	[tilespmem:s23], [sflag:$0x2] =	stream.indirect_vreg.gather [hbm4b:s5+s2], $0x80, v3, vm0, $0xb8;
	[tilespmem:$0x10080] =	vst v63  }
0xb7: {  	s10 =	simm.s32 $0xB080  }
0xb8: {  	[tilespmem:s10], [sflag:$0x2] =	stream.indirect_vreg.gather [hbm4b:s6+s2], $0x80, v3, vm0, $0xb8;
	[tilespmem:$0x10080] =	vst v63  }
0xb9: {  	s23 =	simm.s32 $0xB880  }
0xba: {  	[tilespmem:s23], [sflag:$0x2] =	stream.indirect_vreg.gather [hbm4b:s7+s2], $0x80, v3, vm0, $0xb8;
	[tilespmem:$0x10080] =	vst v63  }
0xbb: {  	v3 =	vld [tilespmem:$0x70];
	_ =	sdelay $0x4  }
0xbc: {  	v63 =	vshll.u32 v3, $0x3  }
0xbd: {  	v3 =	vand.u32 $0x7, v3;
	v4 =	vand.u32 $0xFFFFFFC0, v63  }
0xbe: {  	v3 =	vor.u32 v3, v4  }
0xbf: {  	v4 =	vperm.xlane v3, v0;
	_ =	sdelay $0x1  }
0xc0: {  	v4 =	vadd.s32 v1, v4;
	_ =	sdelay $0x3  }
0xc1: {  	s10 =	simm.s32 $0xC080  }
0xc2: {  	[tilespmem:s10], [sflag:$0x2] =	stream.indirect_vreg.gather [hbm4b:s3+s2], $0x80, v4, vm0, $0xb8;
	[tilespmem:$0x10080] =	vst v63  }
0xc3: {  	s23 =	simm.s32 $0xC880;
	v3 =	vperm.xlane v3, v2  }
0xc4: {  	[tilespmem:s23], [sflag:$0x2] =	stream.indirect_vreg.gather [hbm4b:s5+s2], $0x80, v4, vm0, $0xb8;
	[tilespmem:$0x10080] =	vst v63  }
0xc5: {  	v3 =	vadd.s32 v1, v3;
	s10 =	simm.s32 $0xD080  }
0xc6: {  	[tilespmem:s10], [sflag:$0x2] =	stream.indirect_vreg.gather [hbm4b:s6+s2], $0x80, v4, vm0, $0xb8;
	[tilespmem:$0x10080] =	vst v63  }
0xc7: {  	s23 =	simm.s32 $0xD880  }
0xc8: {  	[tilespmem:s23], [sflag:$0x2] =	stream.indirect_vreg.gather [hbm4b:s7+s2], $0x80, v4, vm0, $0xb8;
	[tilespmem:$0x10080] =	vst v63  }
0xc9: {  	s10 =	simm.s32 $0xE080  }
0xca: {  	[tilespmem:s10], [sflag:$0x2] =	stream.indirect_vreg.gather [hbm4b:s3+s2], $0x80, v3, vm0, $0xb8;
	[tilespmem:$0x10080] =	vst v63  }
0xcb: {  	s23 =	simm.s32 $0xE880  }
0xcc: {  	[tilespmem:s23], [sflag:$0x2] =	stream.indirect_vreg.gather [hbm4b:s5+s2], $0x80, v3, vm0, $0xb8;
	[tilespmem:$0x10080] =	vst v63  }
0xcd: {  	s10 =	simm.s32 $0xF080  }
0xce: {  	[tilespmem:s10], [sflag:$0x2] =	stream.indirect_vreg.gather [hbm4b:s6+s2], $0x80, v3, vm0, $0xb8;
	[tilespmem:$0x10080] =	vst v63  }
0xcf: {  	s23 =	simm.s32 $0xF880  }
0xd0: {  	[tilespmem:s23], [sflag:$0x2] =	stream.indirect_vreg.gather [hbm4b:s7+s2], $0x80, v3, vm0, $0xb8;
	[tilespmem:$0x10080] =	vst v63  }
0xd1: {  	_ =	swait.ge [sflag:s9], $0x8000  }
0xd2: {  	[sflag:s9] =	ssyncset.done $0x0  }
0xd3: {  	s0 =	rddreg [dreg:$0x5];
	[sflag:s9] =	ssyncadd.s32 $0xFFFF8000  }
0xd4: {  	[hbm4b:s0+s2] =	stream.linear.scatter [tilespmem:s26], [sflag:$0x3], $0x8000, $0x38;
	[tilespmem:$0x10080] =	vst v63  }
0xd5: {  	_ =	swait.ge [sflag:s21], $0x8000  }
0xd6: {  	[sflag:s21] =	ssyncset.done $0x0  }
0xd7: {  	[sflag:s21] =	ssyncadd.s32 $0xFFFF8000  }
0xd8: {  	_ =	swait.ge [sflag:s4], $0x8000  }
0xd9: {  	p0 =	sne.s32 s8, $0x1;
	[sflag:s4] =	ssyncset.done $0x0  }
.Ltmp0:
0xda: {  	s10 =	rddreg [dreg:$0x6];
	[sflag:s4] =	ssyncadd.s32 $0xFFFF8000;
	(pc) =	sbr.rel @p0 .LBB2_1-.Ltmp0, $4  }
0xdb: {  	[hbm4b:s10+s2] =	stream.linear.scatter [tilespmem:s20], [sflag:$0x4], $0x8000, $0x38;
	[tilespmem:$0x10080] =	vst v63  }
0xdc: {  	_ =	swait.ge [sflag:s22], $0x8000  }
0xdd: {  	[sflag:s22] =	ssyncset.done $0x0  }
0xde: {  	s8 =	sadd.s32 $0xFFFFFFFF, s8;
	[sflag:s22] =	ssyncadd.s32 $0xFFFF8000  }
0xdf: {  	_ =	sfence.sel $0x180000  }
0xe0: {  	[bflag:$0x0] =	sbarrier.arrive $0xFFFF  }
0xe1: {  	_ =	strace $0x9000004A  }
0xe2: {  	s0 =	stileid.u32;
	[bflag:$0x2] =	sbarrier.arrive $0xFFFF  }
0xe3: {  	p0 =	sne.s32 s0, $0x0;
	s0 =	rddreg [dreg:$0x2]  }
0xe4: {  	s0 =	sadd.s32 @!p0 $0x100000, s0  }
0xe5: {  	[sflag:s0] =	ssyncadd.tile.s32 @!p0 $0x1;
	_ =	shalt  }
.Lfunc_end2:
_tile_overlayer_lowered:
.L_overlay_start_2:
0xe6: {  	(tag) =	ssettag $0x2  }
0xe7: {  	s0 =	rddreg [dreg:$0x0];
	s2 =	stileid.u32  }
0xe8: {  	s1 =	rddreg [dreg:$0x1];
	p0 =	sne.s32 s2, $0x0  }
0xe9: {  	s3 =	rddreg [dreg:$0x2];
	[bflag:$0x3] =	sbarrier.arrive $0xFFFF;
	s2 =	simm.s32 @!p0 $0x1C05  }
0xea: {  	[timem:s3], [sflag:s2] =	dma.local @!p0 [hbm:s0], s1  }
0xeb: {  	s0 =	simm.s32 @!p0 $0x5  }
0xec: {  	_ =	swait.ge @!p0 [sflag:s0], s1  }
0xed: {  	s1 =	ssub.s32 @!p0 $0x0, s1;
	[sflag:s0] =	ssyncset.done @!p0 $0x0  }
0xee: {  	[sflag:s0] =	ssyncadd.s32 @!p0 s1  }
0xef: {  	[bflag:$0x3] =	sbarrier.arrive $0xFFFF  }
0xf0: {  	_ =	shalt  }

</sc_bundles>
